<compile_context>
chip_gen: v7x
topology: tpu7x:2x2x1
jax: 0.10.2.dev20260603
libtpu: 0.0.44.dev20260713+nightly
codegen_flags: <defaults>
</compile_context>

<pallas_src>
import functools

import jax
import jax.numpy as jnp
from jax import lax
from jax.experimental import pallas as pl
from jax.experimental.pallas import tpu as pltpu
from jax.experimental.pallas import tpu_sc as plsc

N = 10000
E = 320000
D = 128
NP = 10240
B = 128
NB = E // B
NC = 2
NS = 16
NW = NC * NS
ROWS_PER_TILE = NP // NS

_mesh = plsc.VectorSubcoreMesh(core_axis_name="c", subcore_axis_name="s")


def _worker_batches(wid):
    full, rem = divmod(NB, NW)
    return full + jnp.where(wid < rem, 1, 0).astype(jnp.int32)


@functools.partial(
    pl.kernel,
    mesh=_mesh,
    out_type=jax.ShapeDtypeStruct((NC, 2, NP), jnp.float32),
    scratch_types=[
        pltpu.VMEM((B,), jnp.int32),
        pltpu.VMEM((B,), jnp.float32),
        pltpu.VMEM((ROWS_PER_TILE,), jnp.float32),
        pltpu.VMEM_SHARED((NP,), jnp.float32),
        pltpu.VMEM_SHARED((NP,), jnp.float32),
    ],
)
def _degree_kernel(edge_hbm, out_hbm, idx_v, ones_v, zb_v, dsrc_sh, ddst_sh):
    c = lax.axis_index("c")
    s = lax.axis_index("s")
    wid = s * NC + c

    one16 = jnp.ones((16,), jnp.float32)
    zero16 = jnp.zeros((16,), jnp.float32)
    for k in range(B // 16):
        ones_v[pl.ds(k * 16, 16)] = one16

    def zfill(j, carry):
        zb_v[pl.ds(j * 16, 16)] = zero16
        return carry

    lax.fori_loop(0, ROWS_PER_TILE // 16, zfill, None)
    pltpu.sync_copy(zb_v, dsrc_sh.at[pl.ds(s * ROWS_PER_TILE, ROWS_PER_TILE)])
    pltpu.sync_copy(zb_v, ddst_sh.at[pl.ds(s * ROWS_PER_TILE, ROWS_PER_TILE)])
    plsc.subcore_barrier()

    nb = _worker_batches(wid)

    def body(i, carry):
        off = (wid + i * NW) * B
        pltpu.sync_copy(edge_hbm.at[0, pl.ds(off, B)], idx_v)
        pltpu.sync_copy(ones_v, dsrc_sh.at[idx_v], add=True)
        pltpu.sync_copy(edge_hbm.at[1, pl.ds(off, B)], idx_v)
        pltpu.sync_copy(ones_v, ddst_sh.at[idx_v], add=True)
        return carry

    lax.fori_loop(0, nb, body, None)
    plsc.subcore_barrier()

    r0 = s * ROWS_PER_TILE
    pltpu.sync_copy(dsrc_sh.at[pl.ds(r0, ROWS_PER_TILE)],
                    out_hbm.at[c, 0, pl.ds(r0, ROWS_PER_TILE)])
    pltpu.sync_copy(ddst_sh.at[pl.ds(r0, ROWS_PER_TILE)],
                    out_hbm.at[c, 1, pl.ds(r0, ROWS_PER_TILE)])


@functools.partial(
    pl.kernel,
    mesh=_mesh,
    out_type=jax.ShapeDtypeStruct((NC, NP, D), jnp.float32),
    scratch_types=[
        pltpu.VMEM((B,), jnp.int32),
        pltpu.VMEM((B,), jnp.int32),
        pltpu.VMEM((B, D), jnp.float32),
        pltpu.VMEM_SHARED((NP, D), jnp.float32),
        pltpu.SemaphoreType.DMA,
    ],
)
def _aggregate_kernel(h_hbm, edge_hbm, out_hbm, sidx_v, didx_v, rows_v,
                      acc_sh, sem):
    c = lax.axis_index("c")
    s = lax.axis_index("s")
    wid = s * NC + c

    zero16 = jnp.zeros((16,), jnp.float32)

    def zfill(j, carry):
        r = j // (D // 16)
        k = (j % (D // 16)) * 16
        rows_v[r, pl.ds(k, 16)] = zero16
        return carry

    lax.fori_loop(0, B * (D // 16), zfill, None)
    r0 = s * ROWS_PER_TILE
    for j in range(ROWS_PER_TILE // B):
        pltpu.sync_copy(rows_v, acc_sh.at[pl.ds(r0 + j * B, B)])
    plsc.subcore_barrier()

    nb = _worker_batches(wid)

    def body(i, carry):
        off = (wid + i * NW) * B
        pltpu.sync_copy(edge_hbm.at[0, pl.ds(off, B)], sidx_v)
        pltpu.sync_copy(edge_hbm.at[1, pl.ds(off, B)], didx_v)
        pltpu.async_copy(h_hbm.at[sidx_v], rows_v, sem).wait()
        pltpu.sync_copy(rows_v, acc_sh.at[didx_v], add=True)
        return carry

    lax.fori_loop(0, nb, body, None)
    plsc.subcore_barrier()

    pltpu.sync_copy(acc_sh.at[pl.ds(r0, ROWS_PER_TILE)],
                    out_hbm.at[c, pl.ds(r0, ROWS_PER_TILE)])


_R = 1280


def _norm_cols(degp_ref):
    ns = lax.rsqrt(degp_ref[0, 0] + degp_ref[1, 0] + 1.0)
    nd = lax.rsqrt(degp_ref[0, 1] + degp_ref[1, 1] + 1.0)
    return ns, nd


def _prescale_body(feat_ref, degp_ref, h_ref):
    ns, _ = _norm_cols(degp_ref)
    h_ref[...] = feat_ref[...] * ns


def _layer1_body(aggp_ref, h_ref, degp_ref, w_ref, b_ref, out_ref):
    ns, nd = _norm_cols(degp_ref)
    agg = (aggp_ref[0] + aggp_ref[1] + h_ref[...]) * nd
    u = jnp.dot(agg, w_ref[...], preferred_element_type=jnp.float32,
                precision=lax.Precision.HIGHEST)
    u = jnp.maximum(u + b_ref[...], 0.0)
    out_ref[...] = u * ns


def _layer2_body(aggp_ref, h_ref, degp_ref, w_ref, b_ref, out_ref):
    _, nd = _norm_cols(degp_ref)
    agg = (aggp_ref[0] + aggp_ref[1] + h_ref[...]) * nd
    u = jnp.dot(agg, w_ref[...], preferred_element_type=jnp.float32,
                precision=lax.Precision.HIGHEST)
    out_ref[...] = u + b_ref[...]


_row_spec = pl.BlockSpec((_R, D), lambda i: (i, 0))
_degp_spec = pl.BlockSpec((NC, 2, _R, 1), lambda i: (0, 0, i, 0))
_aggp_spec = pl.BlockSpec((NC, _R, D), lambda i: (0, i, 0))
_w_spec = pl.BlockSpec((D, D), lambda i: (0, 0))
_b_spec = pl.BlockSpec((1, D), lambda i: (0, 0))

_prescale_call = pl.pallas_call(
    _prescale_body,
    grid=(NP // _R,),
    in_specs=[_row_spec, _degp_spec],
    out_specs=_row_spec,
    out_shape=jax.ShapeDtypeStruct((NP, D), jnp.float32),
)

_layer1_call = pl.pallas_call(
    _layer1_body,
    grid=(NP // _R,),
    in_specs=[_aggp_spec, _row_spec, _degp_spec, _w_spec, _b_spec],
    out_specs=_row_spec,
    out_shape=jax.ShapeDtypeStruct((NP, D), jnp.float32),
)

_layer2_call = pl.pallas_call(
    _layer2_body,
    grid=(NP // _R,),
    in_specs=[_aggp_spec, _row_spec, _degp_spec, _w_spec, _b_spec],
    out_specs=_row_spec,
    out_shape=jax.ShapeDtypeStruct((NP, D), jnp.float32),
)


@jax.jit
def kernel(features, edge_index, W1, b1, W2, b2):
    edge_index = edge_index.astype(jnp.int32)
    feat_p = jnp.zeros((NP, D), jnp.float32).at[:N].set(features)

    degp = _degree_kernel(edge_index)
    degp4 = degp.reshape(NC, 2, NP, 1)

    h = _prescale_call(feat_p, degp4)
    agg1 = _aggregate_kernel(h, edge_index)
    h1 = _layer1_call(agg1, h, degp4, W1, b1.reshape(1, D))
    agg2 = _aggregate_kernel(h1, edge_index)
    out = _layer2_call(agg2, h1, degp4, W2, b2.reshape(1, D))
    return out[:N]

# --- scband reference (transcript-rebuilt; emitter-appended) ---
"""Pipeline reference for scband-gcnn-33784212750626 (READ-ONLY COPY).

The authoritative reference and input builder live on the scoring server;
editing this copy changes nothing except your own understanding.
"""

import jax, jax.numpy as jnp
import numpy as np

N = 10000
E = 320000
D_IN = 128
D_HID = 128
D_OUT = 128


def setup_inputs(seed: int = 0) -> dict:
    key = jax.random.key(seed)
    k1, k2, k3, k4, k5, k6 = jax.random.split(key, 6)
    features = jax.random.normal(k1, (N, D_IN), dtype=jnp.float32)
    edge_index = jax.random.randint(k2, (2, E), 0, N)
    W1 = jax.random.normal(k3, (D_IN, D_HID), dtype=jnp.float32) * (1.0 / np.sqrt(D_IN))
    b1 = jnp.zeros((D_HID,), dtype=jnp.float32)
    W2 = jax.random.normal(k4, (D_HID, D_OUT), dtype=jnp.float32) * (1.0 / np.sqrt(D_HID))
    b2 = jnp.zeros((D_OUT,), dtype=jnp.float32)
    return {"features": features, "edge_index": edge_index, "W1": W1, "b1": b1, "W2": W2, "b2": b2}


def _graph_conv(x, src, dst, W, b, n_nodes):
    # DGL GraphConv with norm='both': h = D_dst^{-1/2} A D_src^{-1/2} x W + b
    ones = jnp.ones(src.shape[0], dtype=x.dtype)
    deg_out = jax.ops.segment_sum(ones, src, num_segments=n_nodes)
    deg_in = jax.ops.segment_sum(ones, dst, num_segments=n_nodes)
    norm_src = jnp.where(deg_out > 0, jax.lax.rsqrt(jnp.maximum(deg_out, 1e-12)), 0.0)
    norm_dst = jnp.where(deg_in > 0, jax.lax.rsqrt(jnp.maximum(deg_in, 1e-12)), 0.0)
    h = x * norm_src[:, None]
    msg = jnp.take(h, src, axis=0)
    agg = jax.ops.segment_sum(msg, dst, num_segments=n_nodes)
    agg = agg * norm_dst[:, None]
    return agg @ W + b


def reference(features, edge_index, W1, b1, W2, b2):
    # add self loops (dgl.add_self_loop)
    loop = jnp.arange(N, dtype=edge_index.dtype)
    src = jnp.concatenate([edge_index[0], loop])
    dst = jnp.concatenate([edge_index[1], loop])
    x = _graph_conv(features, src, dst, W1, b1, N)
    x = jax.nn.relu(x)
    x = _graph_conv(x, src, dst, W2, b2, N)
    return x

if __name__ == "__main__":
    import jax
    _d = setup_inputs()
    print(jax.jit(kernel)(*tuple(_d.values())))

</pallas_src>

<mosaic_0001>
#map = affine_map<(d0, d1) -> (0, 0)>
#map1 = affine_map<(d0, d1) -> (0, 0, 0)>
module attributes {stable_mosaic.version = 14 : i64} {
  func.func @_degree_kernel(%arg0: i32, %arg1: i32, %arg2: memref<2x320000xi32, #tpu.memory_space<hbm>>, %arg3: memref<2x2x10240xf32, #tpu.memory_space<hbm>>, %arg4: memref<128xi32, #tpu.memory_space<vmem>>, %arg5: memref<128xf32, #tpu.memory_space<vmem>>, %arg6: memref<640xf32, #tpu.memory_space<vmem>>, %arg7: memref<10240xf32, #tpu.memory_space<vmem_shared>>, %arg8: memref<10240xf32, #tpu.memory_space<vmem_shared>>) attributes {dimension_semantics = [#tpu.dimension_semantics<core_parallel>, #tpu.dimension_semantics<subcore_parallel>], iteration_bounds = array<i64: 2, 16>, scalar_prefetch = 0 : i64, scratch_operands = 5 : i64, tpu.core_type = #tpu.core_type<sc_vector_subcore>, window_params = [{transform_indices = #map}, {transform_indices = #map1}]} {
    %mul3A = arith.constant 2 : i32
    %mul3A_0 = arith.muli %arg1, %mul3A : i32
    %add3A = arith.addi %mul3A_0, %arg0 : i32
    %broadcast_in_dim3A = arith.constant 1.000000e+00 : f32
    %broadcast_in_dim3A_1 = vector.broadcast %broadcast_in_dim3A : f32 to vector<16xf32>
    %broadcast_in_dim3A_2 = arith.constant 0.000000e+00 : f32
    %broadcast_in_dim3A_3 = vector.broadcast %broadcast_in_dim3A_2 : f32 to vector<16xf32>
    %swap3A = arith.constant 0 : index
    %swap3A_4 = tpu.vector_load %arg5[%swap3A] {strides = array<i32>} : memref<128xf32, #tpu.memory_space<vmem>>, vector<16xf32>,
    %swap3A_5 = vector.shape_cast %swap3A_4 : vector<16xf32> to vector<16xf32>
    %swap3A_6 = vector.shape_cast %broadcast_in_dim3A_1 : vector<16xf32> to vector<16xf32>
    tpu.vector_store %arg5[%swap3A], %swap3A_6 {strides = array<i32>} : memref<128xf32, #tpu.memory_space<vmem>>, vector<16xf32>,
    %swap3A_7 = arith.constant 16 : index
    %swap3A_8 = tpu.vector_load %arg5[%swap3A_7] {strides = array<i32>} : memref<128xf32, #tpu.memory_space<vmem>>, vector<16xf32>,
    %swap3A_9 = vector.shape_cast %swap3A_8 : vector<16xf32> to vector<16xf32>
    %swap3A_10 = vector.shape_cast %broadcast_in_dim3A_1 : vector<16xf32> to vector<16xf32>
    tpu.vector_store %arg5[%swap3A_7], %swap3A_10 {strides = array<i32>} : memref<128xf32, #tpu.memory_space<vmem>>, vector<16xf32>,
    %swap3A_11 = arith.constant 32 : index
    %swap3A_12 = tpu.vector_load %arg5[%swap3A_11] {strides = array<i32>} : memref<128xf32, #tpu.memory_space<vmem>>, vector<16xf32>,
    %swap3A_13 = vector.shape_cast %swap3A_12 : vector<16xf32> to vector<16xf32>
    %swap3A_14 = vector.shape_cast %broadcast_in_dim3A_1 : vector<16xf32> to vector<16xf32>
    tpu.vector_store %arg5[%swap3A_11], %swap3A_14 {strides = array<i32>} : memref<128xf32, #tpu.memory_space<vmem>>, vector<16xf32>,
    %swap3A_15 = arith.constant 48 : index
    %swap3A_16 = tpu.vector_load %arg5[%swap3A_15] {strides = array<i32>} : memref<128xf32, #tpu.memory_space<vmem>>, vector<16xf32>,
    %swap3A_17 = vector.shape_cast %swap3A_16 : vector<16xf32> to vector<16xf32>
    %swap3A_18 = vector.shape_cast %broadcast_in_dim3A_1 : vector<16xf32> to vector<16xf32>
    tpu.vector_store %arg5[%swap3A_15], %swap3A_18 {strides = array<i32>} : memref<128xf32, #tpu.memory_space<vmem>>, vector<16xf32>,
    %swap3A_19 = arith.constant 64 : index
    %swap3A_20 = tpu.vector_load %arg5[%swap3A_19] {strides = array<i32>} : memref<128xf32, #tpu.memory_space<vmem>>, vector<16xf32>,
    %swap3A_21 = vector.shape_cast %swap3A_20 : vector<16xf32> to vector<16xf32>
    %swap3A_22 = vector.shape_cast %broadcast_in_dim3A_1 : vector<16xf32> to vector<16xf32>
    tpu.vector_store %arg5[%swap3A_19], %swap3A_22 {strides = array<i32>} : memref<128xf32, #tpu.memory_space<vmem>>, vector<16xf32>,
    %swap3A_23 = arith.constant 80 : index
    %swap3A_24 = tpu.vector_load %arg5[%swap3A_23] {strides = array<i32>} : memref<128xf32, #tpu.memory_space<vmem>>, vector<16xf32>,
    %swap3A_25 = vector.shape_cast %swap3A_24 : vector<16xf32> to vector<16xf32>
    %swap3A_26 = vector.shape_cast %broadcast_in_dim3A_1 : vector<16xf32> to vector<16xf32>
    tpu.vector_store %arg5[%swap3A_23], %swap3A_26 {strides = array<i32>} : memref<128xf32, #tpu.memory_space<vmem>>, vector<16xf32>,
    %swap3A_27 = arith.constant 96 : index
    %swap3A_28 = tpu.vector_load %arg5[%swap3A_27] {strides = array<i32>} : memref<128xf32, #tpu.memory_space<vmem>>, vector<16xf32>,
    %swap3A_29 = vector.shape_cast %swap3A_28 : vector<16xf32> to vector<16xf32>
    %swap3A_30 = vector.shape_cast %broadcast_in_dim3A_1 : vector<16xf32> to vector<16xf32>
    tpu.vector_store %arg5[%swap3A_27], %swap3A_30 {strides = array<i32>} : memref<128xf32, #tpu.memory_space<vmem>>, vector<16xf32>,
    %swap3A_31 = arith.constant 112 : index
    %swap3A_32 = tpu.vector_load %arg5[%swap3A_31] {strides = array<i32>} : memref<128xf32, #tpu.memory_space<vmem>>, vector<16xf32>,
    %swap3A_33 = vector.shape_cast %swap3A_32 : vector<16xf32> to vector<16xf32>
    %swap3A_34 = vector.shape_cast %broadcast_in_dim3A_1 : vector<16xf32> to vector<16xf32>
    tpu.vector_store %arg5[%swap3A_31], %swap3A_34 {strides = array<i32>} : memref<128xf32, #tpu.memory_space<vmem>>, vector<16xf32>,
    %scan3A = arith.constant 0 : i32
    %scan3A_35 = arith.constant 40 : i32
    %scan3A_36 = arith.addi %scan3A, %scan3A_35 : i32
    %scan3A_37 = arith.constant 1 : i32
    scf.for %scan3A_59 = %scan3A to %scan3A_36 step %scan3A_37  : i32 {
      %mul3A_60 = arith.constant 16 : i32
      %mul3A_61 = arith.muli %scan3A_59, %mul3A_60 : i32
      %swap3A_62 = arith.index_cast %mul3A_61 : i32 to index
      %swap3A_63 = tpu.vector_load %arg6[%swap3A_62] {strides = array<i32>} : memref<640xf32, #tpu.memory_space<vmem>>, vector<16xf32>,
      %swap3A_64 = vector.shape_cast %swap3A_63 : vector<16xf32> to vector<16xf32>
      %swap3A_65 = vector.shape_cast %broadcast_in_dim3A_3 : vector<16xf32> to vector<16xf32>
      tpu.vector_store %arg6[%swap3A_62], %swap3A_65 {strides = array<i32>} : memref<640xf32, #tpu.memory_space<vmem>>, vector<16xf32>,
    }
    %scan3A_38 = arith.constant 40 : i32
    %mul3A_39 = arith.constant 640 : i32
    %mul3A_40 = arith.muli %arg1, %mul3A_39 : i32
    "tpu.region"() ({
      %run_scoped3A_59 = tpu.sem_alloc : memref<!tpu.dma_semaphore, #tpu.memory_space<semaphore_mem>>
      %dma_start3A = tpu.memref_slice %arg7[%mul3A_40] : memref<10240xf32, #tpu.memory_space<vmem_shared>> -> memref<640xf32, #tpu.memory_space<vmem_shared>>
      %dma_start3A_60 = tpu.memref_slice %arg7[%mul3A_40] : memref<10240xf32, #tpu.memory_space<vmem_shared>> -> memref<640xf32, #tpu.memory_space<vmem_shared>>
      tpu.enqueue_dma source(%arg6 : memref<640xf32, #tpu.memory_space<vmem>>) target(%dma_start3A_60 : memref<640xf32, #tpu.memory_space<vmem_shared>>) target_semaphore(%run_scoped3A_59 : memref<!tpu.dma_semaphore, #tpu.memory_space<semaphore_mem>>)
      %dma_wait3A = tpu.memref_slice %arg7[%mul3A_40] : memref<10240xf32, #tpu.memory_space<vmem_shared>> -> memref<640xf32, #tpu.memory_space<vmem_shared>>
      %dma_wait3A_61 = tpu.memref_slice %arg7[%mul3A_40] : memref<10240xf32, #tpu.memory_space<vmem_shared>> -> memref<640xf32, #tpu.memory_space<vmem_shared>>
      tpu.wait_dma2 semaphore(%run_scoped3A_59 : memref<!tpu.dma_semaphore, #tpu.memory_space<semaphore_mem>>) src(%arg6 : memref<640xf32, #tpu.memory_space<vmem>>) dst(%dma_wait3A_61 : memref<640xf32, #tpu.memory_space<vmem_shared>>)
      tpu.yield
    }) : () -> ()
    %mul3A_41 = arith.constant 640 : i32
    %mul3A_42 = arith.muli %arg1, %mul3A_41 : i32
    "tpu.region"() ({
      %run_scoped3A_59 = tpu.sem_alloc : memref<!tpu.dma_semaphore, #tpu.memory_space<semaphore_mem>>
      %dma_start3A = tpu.memref_slice %arg8[%mul3A_42] : memref<10240xf32, #tpu.memory_space<vmem_shared>> -> memref<640xf32, #tpu.memory_space<vmem_shared>>
      %dma_start3A_60 = tpu.memref_slice %arg8[%mul3A_42] : memref<10240xf32, #tpu.memory_space<vmem_shared>> -> memref<640xf32, #tpu.memory_space<vmem_shared>>
      tpu.enqueue_dma source(%arg6 : memref<640xf32, #tpu.memory_space<vmem>>) target(%dma_start3A_60 : memref<640xf32, #tpu.memory_space<vmem_shared>>) target_semaphore(%run_scoped3A_59 : memref<!tpu.dma_semaphore, #tpu.memory_space<semaphore_mem>>)
      %dma_wait3A = tpu.memref_slice %arg8[%mul3A_42] : memref<10240xf32, #tpu.memory_space<vmem_shared>> -> memref<640xf32, #tpu.memory_space<vmem_shared>>
      %dma_wait3A_61 = tpu.memref_slice %arg8[%mul3A_42] : memref<10240xf32, #tpu.memory_space<vmem_shared>> -> memref<640xf32, #tpu.memory_space<vmem_shared>>
      tpu.wait_dma2 semaphore(%run_scoped3A_59 : memref<!tpu.dma_semaphore, #tpu.memory_space<semaphore_mem>>) src(%arg6 : memref<640xf32, #tpu.memory_space<vmem>>) dst(%dma_wait3A_61 : memref<640xf32, #tpu.memory_space<vmem_shared>>)
      tpu.yield
    }) : () -> ()
    %barrier3A = arith.constant 0 : index
    tpu.barrier barrier_id(%barrier3A)
    %lt3A = arith.constant 4 : i32
    %lt3A_43 = arith.cmpi slt, %add3A, %lt3A : i32
    %jit3A = arith.constant 1 : i32
    %jit3A_44 = arith.constant 0 : i32
    %select_n3A = arith.select %lt3A_43, %jit3A, %jit3A_44 : i32
    %add3A_45 = arith.constant 78 : i32
    %add3A_46 = arith.addi %add3A_45, %select_n3A : i32
    %while3A = arith.constant 0 : i32
    %while3A_47 = arith.subi %add3A_46, %while3A : i32
    %while3A_48 = arith.addi %while3A, %while3A_47 : i32
    %while3A_49 = arith.constant 1 : i32
    %while3A_50 = arith.divsi %while3A_47, %while3A_49 : i32
    %while3A_51 = arith.muli %while3A_50, %while3A_49 : i32
    %while3A_52 = arith.addi %while3A, %while3A_51 : i32
    %while3A_53 = arith.constant 1 : i32
    scf.for %while3A_59 = %while3A to %while3A_52 step %while3A_53  : i32 {
      %mul3A_60 = arith.constant 32 : i32
      %mul3A_61 = arith.muli %while3A_59, %mul3A_60 : i32
      %add3A_62 = arith.addi %add3A, %mul3A_61 : i32
      %mul3A_63 = arith.constant 128 : i32
      %mul3A_64 = arith.muli %add3A_62, %mul3A_63 : i32
      %run_scoped3A_65 = arith.constant 0 : i32
      "tpu.region"() ({
        %run_scoped3A_67 = tpu.sem_alloc : memref<!tpu.dma_semaphore, #tpu.memory_space<semaphore_mem>>
        %dma_start3A = tpu.memref_slice %arg2[%run_scoped3A_65, %mul3A_64] : memref<2x320000xi32, #tpu.memory_space<hbm>> -> memref<1x128xi32, #tpu.memory_space<hbm>>
        %dma_start3A_68 = tpu.memref_squeeze %dma_start3A : memref<1x128xi32, #tpu.memory_space<hbm>> -> memref<128xi32, #tpu.memory_space<hbm>>
        %dma_start3A_69 = tpu.memref_slice %arg2[%run_scoped3A_65, %mul3A_64] : memref<2x320000xi32, #tpu.memory_space<hbm>> -> memref<1x128xi32, #tpu.memory_space<hbm>>
        %dma_start3A_70 = tpu.memref_squeeze %dma_start3A_69 : memref<1x128xi32, #tpu.memory_space<hbm>> -> memref<128xi32, #tpu.memory_space<hbm>>
        tpu.enqueue_dma source(%dma_start3A_70 : memref<128xi32, #tpu.memory_space<hbm>>) target(%arg4 : memref<128xi32, #tpu.memory_space<vmem>>) target_semaphore(%run_scoped3A_67 : memref<!tpu.dma_semaphore, #tpu.memory_space<semaphore_mem>>)
        %dma_wait3A = tpu.memref_slice %arg2[%run_scoped3A_65, %mul3A_64] : memref<2x320000xi32, #tpu.memory_space<hbm>> -> memref<1x128xi32, #tpu.memory_space<hbm>>
        %dma_wait3A_71 = tpu.memref_squeeze %dma_wait3A : memref<1x128xi32, #tpu.memory_space<hbm>> -> memref<128xi32, #tpu.memory_space<hbm>>
        %dma_wait3A_72 = tpu.memref_slice %arg2[%run_scoped3A_65, %mul3A_64] : memref<2x320000xi32, #tpu.memory_space<hbm>> -> memref<1x128xi32, #tpu.memory_space<hbm>>
        %dma_wait3A_73 = tpu.memref_squeeze %dma_wait3A_72 : memref<1x128xi32, #tpu.memory_space<hbm>> -> memref<128xi32, #tpu.memory_space<hbm>>
        tpu.wait_dma2 semaphore(%run_scoped3A_67 : memref<!tpu.dma_semaphore, #tpu.memory_space<semaphore_mem>>) src(%dma_wait3A_73 : memref<128xi32, #tpu.memory_space<hbm>>) dst(%arg4 : memref<128xi32, #tpu.memory_space<vmem>>)
        tpu.yield
      }) : () -> ()
      "tpu.region"() ({
        %run_scoped3A_67 = tpu.sem_alloc : memref<!tpu.dma_semaphore, #tpu.memory_space<semaphore_mem>>
        %dma_start3A = arith.constant 0 : i32
        %dma_start3A_68 = tpu.memref_slice %arg7[%dma_start3A] : memref<10240xf32, #tpu.memory_space<vmem_shared>> -> memref<10240xf32, #tpu.memory_space<vmem_shared>>
        tpu.enqueue_indirect_dma source(%arg5 : memref<128xf32, #tpu.memory_space<vmem>>) target(%dma_start3A_68 : memref<10240xf32, #tpu.memory_space<vmem_shared>>) offsets(%arg4 : memref<128xi32, #tpu.memory_space<vmem>>) semaphore(%run_scoped3A_67 : memref<!tpu.dma_semaphore, #tpu.memory_space<semaphore_mem>>) {add = true}
        %dma_wait3A = arith.constant 0 : i32
        %dma_wait3A_69 = tpu.memref_slice %arg7[%dma_wait3A] : memref<10240xf32, #tpu.memory_space<vmem_shared>> -> memref<10240xf32, #tpu.memory_space<vmem_shared>>
        tpu.wait_indirect_dma semaphore(%run_scoped3A_67 : memref<!tpu.dma_semaphore, #tpu.memory_space<semaphore_mem>>) src(%arg5 : memref<128xf32, #tpu.memory_space<vmem>>) dst(%dma_wait3A_69 : memref<10240xf32, #tpu.memory_space<vmem_shared>>)
        tpu.yield
      }) : () -> ()
      %run_scoped3A_66 = arith.constant 1 : i32
      "tpu.region"() ({
        %run_scoped3A_67 = tpu.sem_alloc : memref<!tpu.dma_semaphore, #tpu.memory_space<semaphore_mem>>
        %dma_start3A = tpu.memref_slice %arg2[%run_scoped3A_66, %mul3A_64] : memref<2x320000xi32, #tpu.memory_space<hbm>> -> memref<1x128xi32, #tpu.memory_space<hbm>>
        %dma_start3A_68 = tpu.memref_squeeze %dma_start3A : memref<1x128xi32, #tpu.memory_space<hbm>> -> memref<128xi32, #tpu.memory_space<hbm>>
        %dma_start3A_69 = tpu.memref_slice %arg2[%run_scoped3A_66, %mul3A_64] : memref<2x320000xi32, #tpu.memory_space<hbm>> -> memref<1x128xi32, #tpu.memory_space<hbm>>
        %dma_start3A_70 = tpu.memref_squeeze %dma_start3A_69 : memref<1x128xi32, #tpu.memory_space<hbm>> -> memref<128xi32, #tpu.memory_space<hbm>>
        tpu.enqueue_dma source(%dma_start3A_70 : memref<128xi32, #tpu.memory_space<hbm>>) target(%arg4 : memref<128xi32, #tpu.memory_space<vmem>>) target_semaphore(%run_scoped3A_67 : memref<!tpu.dma_semaphore, #tpu.memory_space<semaphore_mem>>)
        %dma_wait3A = tpu.memref_slice %arg2[%run_scoped3A_66, %mul3A_64] : memref<2x320000xi32, #tpu.memory_space<hbm>> -> memref<1x128xi32, #tpu.memory_space<hbm>>
        %dma_wait3A_71 = tpu.memref_squeeze %dma_wait3A : memref<1x128xi32, #tpu.memory_space<hbm>> -> memref<128xi32, #tpu.memory_space<hbm>>
        %dma_wait3A_72 = tpu.memref_slice %arg2[%run_scoped3A_66, %mul3A_64] : memref<2x320000xi32, #tpu.memory_space<hbm>> -> memref<1x128xi32, #tpu.memory_space<hbm>>
        %dma_wait3A_73 = tpu.memref_squeeze %dma_wait3A_72 : memref<1x128xi32, #tpu.memory_space<hbm>> -> memref<128xi32, #tpu.memory_space<hbm>>
        tpu.wait_dma2 semaphore(%run_scoped3A_67 : memref<!tpu.dma_semaphore, #tpu.memory_space<semaphore_mem>>) src(%dma_wait3A_73 : memref<128xi32, #tpu.memory_space<hbm>>) dst(%arg4 : memref<128xi32, #tpu.memory_space<vmem>>)
        tpu.yield
      }) : () -> ()
      "tpu.region"() ({
        %run_scoped3A_67 = tpu.sem_alloc : memref<!tpu.dma_semaphore, #tpu.memory_space<semaphore_mem>>
        %dma_start3A = arith.constant 0 : i32
        %dma_start3A_68 = tpu.memref_slice %arg8[%dma_start3A] : memref<10240xf32, #tpu.memory_space<vmem_shared>> -> memref<10240xf32, #tpu.memory_space<vmem_shared>>
        tpu.enqueue_indirect_dma source(%arg5 : memref<128xf32, #tpu.memory_space<vmem>>) target(%dma_start3A_68 : memref<10240xf32, #tpu.memory_space<vmem_shared>>) offsets(%arg4 : memref<128xi32, #tpu.memory_space<vmem>>) semaphore(%run_scoped3A_67 : memref<!tpu.dma_semaphore, #tpu.memory_space<semaphore_mem>>) {add = true}
        %dma_wait3A = arith.constant 0 : i32
        %dma_wait3A_69 = tpu.memref_slice %arg8[%dma_wait3A] : memref<10240xf32, #tpu.memory_space<vmem_shared>> -> memref<10240xf32, #tpu.memory_space<vmem_shared>>
        tpu.wait_indirect_dma semaphore(%run_scoped3A_67 : memref<!tpu.dma_semaphore, #tpu.memory_space<semaphore_mem>>) src(%arg5 : memref<128xf32, #tpu.memory_space<vmem>>) dst(%dma_wait3A_69 : memref<10240xf32, #tpu.memory_space<vmem_shared>>)
        tpu.yield
      }) : () -> ()
    }
    %while3A_54 = arith.constant 1 : i32
    scf.for %while3A_59 = %while3A_52 to %while3A_48 step %while3A_54  : i32 {
      %mul3A_60 = arith.constant 32 : i32
      %mul3A_61 = arith.muli %while3A_59, %mul3A_60 : i32
      %add3A_62 = arith.addi %add3A, %mul3A_61 : i32
      %mul3A_63 = arith.constant 128 : i32
      %mul3A_64 = arith.muli %add3A_62, %mul3A_63 : i32
      %run_scoped3A_65 = arith.constant 0 : i32
      "tpu.region"() ({
        %run_scoped3A_67 = tpu.sem_alloc : memref<!tpu.dma_semaphore, #tpu.memory_space<semaphore_mem>>
        %dma_start3A = tpu.memref_slice %arg2[%run_scoped3A_65, %mul3A_64] : memref<2x320000xi32, #tpu.memory_space<hbm>> -> memref<1x128xi32, #tpu.memory_space<hbm>>
        %dma_start3A_68 = tpu.memref_squeeze %dma_start3A : memref<1x128xi32, #tpu.memory_space<hbm>> -> memref<128xi32, #tpu.memory_space<hbm>>
        %dma_start3A_69 = tpu.memref_slice %arg2[%run_scoped3A_65, %mul3A_64] : memref<2x320000xi32, #tpu.memory_space<hbm>> -> memref<1x128xi32, #tpu.memory_space<hbm>>
        %dma_start3A_70 = tpu.memref_squeeze %dma_start3A_69 : memref<1x128xi32, #tpu.memory_space<hbm>> -> memref<128xi32, #tpu.memory_space<hbm>>
        tpu.enqueue_dma source(%dma_start3A_70 : memref<128xi32, #tpu.memory_space<hbm>>) target(%arg4 : memref<128xi32, #tpu.memory_space<vmem>>) target_semaphore(%run_scoped3A_67 : memref<!tpu.dma_semaphore, #tpu.memory_space<semaphore_mem>>)
        %dma_wait3A = tpu.memref_slice %arg2[%run_scoped3A_65, %mul3A_64] : memref<2x320000xi32, #tpu.memory_space<hbm>> -> memref<1x128xi32, #tpu.memory_space<hbm>>
        %dma_wait3A_71 = tpu.memref_squeeze %dma_wait3A : memref<1x128xi32, #tpu.memory_space<hbm>> -> memref<128xi32, #tpu.memory_space<hbm>>
        %dma_wait3A_72 = tpu.memref_slice %arg2[%run_scoped3A_65, %mul3A_64] : memref<2x320000xi32, #tpu.memory_space<hbm>> -> memref<1x128xi32, #tpu.memory_space<hbm>>
        %dma_wait3A_73 = tpu.memref_squeeze %dma_wait3A_72 : memref<1x128xi32, #tpu.memory_space<hbm>> -> memref<128xi32, #tpu.memory_space<hbm>>
        tpu.wait_dma2 semaphore(%run_scoped3A_67 : memref<!tpu.dma_semaphore, #tpu.memory_space<semaphore_mem>>) src(%dma_wait3A_73 : memref<128xi32, #tpu.memory_space<hbm>>) dst(%arg4 : memref<128xi32, #tpu.memory_space<vmem>>)
        tpu.yield
      }) : () -> ()
      "tpu.region"() ({
        %run_scoped3A_67 = tpu.sem_alloc : memref<!tpu.dma_semaphore, #tpu.memory_space<semaphore_mem>>
        %dma_start3A = arith.constant 0 : i32
        %dma_start3A_68 = tpu.memref_slice %arg7[%dma_start3A] : memref<10240xf32, #tpu.memory_space<vmem_shared>> -> memref<10240xf32, #tpu.memory_space<vmem_shared>>
        tpu.enqueue_indirect_dma source(%arg5 : memref<128xf32, #tpu.memory_space<vmem>>) target(%dma_start3A_68 : memref<10240xf32, #tpu.memory_space<vmem_shared>>) offsets(%arg4 : memref<128xi32, #tpu.memory_space<vmem>>) semaphore(%run_scoped3A_67 : memref<!tpu.dma_semaphore, #tpu.memory_space<semaphore_mem>>) {add = true}
        %dma_wait3A = arith.constant 0 : i32
        %dma_wait3A_69 = tpu.memref_slice %arg7[%dma_wait3A] : memref<10240xf32, #tpu.memory_space<vmem_shared>> -> memref<10240xf32, #tpu.memory_space<vmem_shared>>
        tpu.wait_indirect_dma semaphore(%run_scoped3A_67 : memref<!tpu.dma_semaphore, #tpu.memory_space<semaphore_mem>>) src(%arg5 : memref<128xf32, #tpu.memory_space<vmem>>) dst(%dma_wait3A_69 : memref<10240xf32, #tpu.memory_space<vmem_shared>>)
        tpu.yield
      }) : () -> ()
      %run_scoped3A_66 = arith.constant 1 : i32
      "tpu.region"() ({
        %run_scoped3A_67 = tpu.sem_alloc : memref<!tpu.dma_semaphore, #tpu.memory_space<semaphore_mem>>
        %dma_start3A = tpu.memref_slice %arg2[%run_scoped3A_66, %mul3A_64] : memref<2x320000xi32, #tpu.memory_space<hbm>> -> memref<1x128xi32, #tpu.memory_space<hbm>>
        %dma_start3A_68 = tpu.memref_squeeze %dma_start3A : memref<1x128xi32, #tpu.memory_space<hbm>> -> memref<128xi32, #tpu.memory_space<hbm>>
        %dma_start3A_69 = tpu.memref_slice %arg2[%run_scoped3A_66, %mul3A_64] : memref<2x320000xi32, #tpu.memory_space<hbm>> -> memref<1x128xi32, #tpu.memory_space<hbm>>
        %dma_start3A_70 = tpu.memref_squeeze %dma_start3A_69 : memref<1x128xi32, #tpu.memory_space<hbm>> -> memref<128xi32, #tpu.memory_space<hbm>>
        tpu.enqueue_dma source(%dma_start3A_70 : memref<128xi32, #tpu.memory_space<hbm>>) target(%arg4 : memref<128xi32, #tpu.memory_space<vmem>>) target_semaphore(%run_scoped3A_67 : memref<!tpu.dma_semaphore, #tpu.memory_space<semaphore_mem>>)
        %dma_wait3A = tpu.memref_slice %arg2[%run_scoped3A_66, %mul3A_64] : memref<2x320000xi32, #tpu.memory_space<hbm>> -> memref<1x128xi32, #tpu.memory_space<hbm>>
        %dma_wait3A_71 = tpu.memref_squeeze %dma_wait3A : memref<1x128xi32, #tpu.memory_space<hbm>> -> memref<128xi32, #tpu.memory_space<hbm>>
        %dma_wait3A_72 = tpu.memref_slice %arg2[%run_scoped3A_66, %mul3A_64] : memref<2x320000xi32, #tpu.memory_space<hbm>> -> memref<1x128xi32, #tpu.memory_space<hbm>>
        %dma_wait3A_73 = tpu.memref_squeeze %dma_wait3A_72 : memref<1x128xi32, #tpu.memory_space<hbm>> -> memref<128xi32, #tpu.memory_space<hbm>>
        tpu.wait_dma2 semaphore(%run_scoped3A_67 : memref<!tpu.dma_semaphore, #tpu.memory_space<semaphore_mem>>) src(%dma_wait3A_73 : memref<128xi32, #tpu.memory_space<hbm>>) dst(%arg4 : memref<128xi32, #tpu.memory_space<vmem>>)
        tpu.yield
      }) : () -> ()
      "tpu.region"() ({
        %run_scoped3A_67 = tpu.sem_alloc : memref<!tpu.dma_semaphore, #tpu.memory_space<semaphore_mem>>
        %dma_start3A = arith.constant 0 : i32
        %dma_start3A_68 = tpu.memref_slice %arg8[%dma_start3A] : memref<10240xf32, #tpu.memory_space<vmem_shared>> -> memref<10240xf32, #tpu.memory_space<vmem_shared>>
        tpu.enqueue_indirect_dma source(%arg5 : memref<128xf32, #tpu.memory_space<vmem>>) target(%dma_start3A_68 : memref<10240xf32, #tpu.memory_space<vmem_shared>>) offsets(%arg4 : memref<128xi32, #tpu.memory_space<vmem>>) semaphore(%run_scoped3A_67 : memref<!tpu.dma_semaphore, #tpu.memory_space<semaphore_mem>>) {add = true}
        %dma_wait3A = arith.constant 0 : i32
        %dma_wait3A_69 = tpu.memref_slice %arg8[%dma_wait3A] : memref<10240xf32, #tpu.memory_space<vmem_shared>> -> memref<10240xf32, #tpu.memory_space<vmem_shared>>
        tpu.wait_indirect_dma semaphore(%run_scoped3A_67 : memref<!tpu.dma_semaphore, #tpu.memory_space<semaphore_mem>>) src(%arg5 : memref<128xf32, #tpu.memory_space<vmem>>) dst(%dma_wait3A_69 : memref<10240xf32, #tpu.memory_space<vmem_shared>>)
        tpu.yield
      }) : () -> ()
    }
    %barrier3A_55 = arith.constant 0 : index
    tpu.barrier barrier_id(%barrier3A_55)
    %mul3A_56 = arith.constant 640 : i32
    %mul3A_57 = arith.muli %arg1, %mul3A_56 : i32
    %run_scoped3A = arith.constant 0 : i32
    "tpu.region"() ({
      %run_scoped3A_59 = tpu.sem_alloc : memref<!tpu.dma_semaphore, #tpu.memory_space<semaphore_mem>>
      %dma_start3A = tpu.memref_slice %arg3[%arg0, %run_scoped3A, %mul3A_57] : memref<2x2x10240xf32, #tpu.memory_space<hbm>> -> memref<1x1x640xf32, #tpu.memory_space<hbm>>
      %dma_start3A_60 = tpu.memref_squeeze %dma_start3A : memref<1x1x640xf32, #tpu.memory_space<hbm>> -> memref<640xf32, #tpu.memory_space<hbm>>
      %dma_start3A_61 = tpu.memref_slice %arg7[%mul3A_57] : memref<10240xf32, #tpu.memory_space<vmem_shared>> -> memref<640xf32, #tpu.memory_space<vmem_shared>>
      tpu.enqueue_dma source(%dma_start3A_61 : memref<640xf32, #tpu.memory_space<vmem_shared>>) target(%dma_start3A_60 : memref<640xf32, #tpu.memory_space<hbm>>) target_semaphore(%run_scoped3A_59 : memref<!tpu.dma_semaphore, #tpu.memory_space<semaphore_mem>>)
      %dma_wait3A = tpu.memref_slice %arg3[%arg0, %run_scoped3A, %mul3A_57] : memref<2x2x10240xf32, #tpu.memory_space<hbm>> -> memref<1x1x640xf32, #tpu.memory_space<hbm>>
      %dma_wait3A_62 = tpu.memref_squeeze %dma_wait3A : memref<1x1x640xf32, #tpu.memory_space<hbm>> -> memref<640xf32, #tpu.memory_space<hbm>>
      %dma_wait3A_63 = tpu.memref_slice %arg7[%mul3A_57] : memref<10240xf32, #tpu.memory_space<vmem_shared>> -> memref<640xf32, #tpu.memory_space<vmem_shared>>
      tpu.wait_dma2 semaphore(%run_scoped3A_59 : memref<!tpu.dma_semaphore, #tpu.memory_space<semaphore_mem>>) src(%dma_wait3A_63 : memref<640xf32, #tpu.memory_space<vmem_shared>>) dst(%dma_wait3A_62 : memref<640xf32, #tpu.memory_space<hbm>>)
      tpu.yield
    }) : () -> ()
    %run_scoped3A_58 = arith.constant 1 : i32
    "tpu.region"() ({
      %run_scoped3A_59 = tpu.sem_alloc : memref<!tpu.dma_semaphore, #tpu.memory_space<semaphore_mem>>
      %dma_start3A = tpu.memref_slice %arg3[%arg0, %run_scoped3A_58, %mul3A_57] : memref<2x2x10240xf32, #tpu.memory_space<hbm>> -> memref<1x1x640xf32, #tpu.memory_space<hbm>>
      %dma_start3A_60 = tpu.memref_squeeze %dma_start3A : memref<1x1x640xf32, #tpu.memory_space<hbm>> -> memref<640xf32, #tpu.memory_space<hbm>>
      %dma_start3A_61 = tpu.memref_slice %arg8[%mul3A_57] : memref<10240xf32, #tpu.memory_space<vmem_shared>> -> memref<640xf32, #tpu.memory_space<vmem_shared>>
      tpu.enqueue_dma source(%dma_start3A_61 : memref<640xf32, #tpu.memory_space<vmem_shared>>) target(%dma_start3A_60 : memref<640xf32, #tpu.memory_space<hbm>>) target_semaphore(%run_scoped3A_59 : memref<!tpu.dma_semaphore, #tpu.memory_space<semaphore_mem>>)
      %dma_wait3A = tpu.memref_slice %arg3[%arg0, %run_scoped3A_58, %mul3A_57] : memref<2x2x10240xf32, #tpu.memory_space<hbm>> -> memref<1x1x640xf32, #tpu.memory_space<hbm>>
      %dma_wait3A_62 = tpu.memref_squeeze %dma_wait3A : memref<1x1x640xf32, #tpu.memory_space<hbm>> -> memref<640xf32, #tpu.memory_space<hbm>>
      %dma_wait3A_63 = tpu.memref_slice %arg8[%mul3A_57] : memref<10240xf32, #tpu.memory_space<vmem_shared>> -> memref<640xf32, #tpu.memory_space<vmem_shared>>
      tpu.wait_dma2 semaphore(%run_scoped3A_59 : memref<!tpu.dma_semaphore, #tpu.memory_space<semaphore_mem>>) src(%dma_wait3A_63 : memref<640xf32, #tpu.memory_space<vmem_shared>>) dst(%dma_wait3A_62 : memref<640xf32, #tpu.memory_space<hbm>>)
      tpu.yield
    }) : () -> ()
    return
  }
}

#map = affine_map<(d0, d1) -> (0, 0)>
#map1 = affine_map<(d0, d1) -> (0, 0, 0)>
module attributes {stable_mosaic.version = 14 : i64} {
  func.func @_aggregate_kernel(%arg0: i32, %arg1: i32, %arg2: memref<10240x128xf32, #tpu.memory_space<hbm>>, %arg3: memref<2x320000xi32, #tpu.memory_space<hbm>>, %arg4: memref<2x10240x128xf32, #tpu.memory_space<hbm>>, %arg5: memref<128xi32, #tpu.memory_space<vmem>>, %arg6: memref<128xi32, #tpu.memory_space<vmem>>, %arg7: memref<128x128xf32, #tpu.memory_space<vmem>>, %arg8: memref<10240x128xf32, #tpu.memory_space<vmem_shared>>, %arg9: memref<!tpu.dma_semaphore, #tpu.memory_space<semaphore_mem>>) attributes {dimension_semantics = [#tpu.dimension_semantics<core_parallel>, #tpu.dimension_semantics<subcore_parallel>], iteration_bounds = array<i64: 2, 16>, scalar_prefetch = 0 : i64, scratch_operands = 5 : i64, tpu.core_type = #tpu.core_type<sc_vector_subcore>, window_params = [{transform_indices = #map}, {transform_indices = #map}, {transform_indices = #map1}]} {
    %mul3A = arith.constant 2 : i32
    %mul3A_0 = arith.muli %arg1, %mul3A : i32
    %add3A = arith.addi %mul3A_0, %arg0 : i32
    %broadcast_in_dim3A = arith.constant 0.000000e+00 : f32
    %broadcast_in_dim3A_1 = vector.broadcast %broadcast_in_dim3A : f32 to vector<16xf32>
    %scan3A = arith.constant 0 : i32
    %scan3A_2 = arith.constant 1024 : i32
    %scan3A_3 = arith.addi %scan3A, %scan3A_2 : i32
    %scan3A_4 = arith.constant 1 : i32
    scf.for %scan3A_31 = %scan3A to %scan3A_3 step %scan3A_4  : i32 {
      %jit3A_32 = arith.constant 8 : i32
      %div3A = arith.divsi %scan3A_31, %jit3A_32 : i32
      %sign3A = arith.constant 0 : i32
      %sign3A_33 = arith.cmpi sgt, %scan3A_31, %sign3A : i32
      %sign3A_34 = arith.extui %sign3A_33 : i1 to i32
      %sign3A_35 = arith.constant 0 : i32
      %sign3A_36 = arith.cmpi slt, %scan3A_31, %sign3A_35 : i32
      %sign3A_37 = arith.extui %sign3A_36 : i1 to i32
      %sign3A_38 = arith.subi %sign3A_34, %sign3A_37 : i32
      %sign3A_39 = arith.constant 0 : i32
      %sign3A_40 = arith.cmpi sgt, %jit3A_32, %sign3A_39 : i32
      %sign3A_41 = arith.extui %sign3A_40 : i1 to i32
      %sign3A_42 = arith.constant 0 : i32
      %sign3A_43 = arith.cmpi slt, %jit3A_32, %sign3A_42 : i32
      %sign3A_44 = arith.extui %sign3A_43 : i1 to i32
      %sign3A_45 = arith.subi %sign3A_41, %sign3A_44 : i32
      %ne3A = arith.cmpi ne, %sign3A_38, %sign3A_45 : i32
      %rem3A = arith.remsi %scan3A_31, %jit3A_32 : i32
      %ne3A_46 = arith.constant 0 : i32
      %ne3A_47 = arith.cmpi ne, %rem3A, %ne3A_46 : i32
      %and3A = arith.andi %ne3A, %ne3A_47 : i1
      %sub3A = arith.constant 1 : i32
      %sub3A_48 = arith.subi %div3A, %sub3A : i32
      %select_n3A_49 = arith.select %and3A, %sub3A_48, %div3A : i32
      %jit3A_50 = arith.constant 8 : i32
      %eq3A = arith.constant 0 : i32
      %eq3A_51 = arith.cmpi eq, %jit3A_50, %eq3A : i32
      %jit3A_52 = arith.constant 1 : i32
      %select_n3A_53 = arith.select %eq3A_51, %jit3A_52, %jit3A_50 : i32
      %rem3A_54 = arith.remsi %scan3A_31, %select_n3A_53 : i32
      %ne3A_55 = arith.constant 0 : i32
      %ne3A_56 = arith.cmpi ne, %rem3A_54, %ne3A_55 : i32
      %lt3A_57 = arith.constant 0 : i32
      %lt3A_58 = arith.cmpi slt, %rem3A_54, %lt3A_57 : i32
      %lt3A_59 = arith.constant 0 : i32
      %lt3A_60 = arith.cmpi slt, %select_n3A_53, %lt3A_59 : i32
      %ne3A_61 = arith.xori %lt3A_58, %lt3A_60 : i1
      %and3A_62 = arith.andi %ne3A_61, %ne3A_56 : i1
      %add3A_63 = arith.addi %rem3A_54, %select_n3A_53 : i32
      %select_n3A_64 = arith.select %and3A_62, %add3A_63, %rem3A_54 : i32
      %mul3A_65 = arith.constant 16 : i32
      %mul3A_66 = arith.muli %select_n3A_64, %mul3A_65 : i32
      %swap3A = arith.index_cast %select_n3A_49 : i32 to index
      %swap3A_67 = arith.index_cast %mul3A_66 : i32 to index
      %swap3A_68 = tpu.vector_load %arg7[%swap3A, %swap3A_67] {strides = array<i32>} : memref<128x128xf32, #tpu.memory_space<vmem>>, vector<1x16xf32>,
      %swap3A_69 = vector.shape_cast %swap3A_68 : vector<1x16xf32> to vector<16xf32>
      %swap3A_70 = vector.shape_cast %broadcast_in_dim3A_1 : vector<16xf32> to vector<1x16xf32>
      tpu.vector_store %arg7[%swap3A, %swap3A_67], %swap3A_70 {strides = array<i32>} : memref<128x128xf32, #tpu.memory_space<vmem>>, vector<1x16xf32>,
    }
    %scan3A_5 = arith.constant 1024 : i32
    %mul3A_6 = arith.constant 640 : i32
    %mul3A_7 = arith.muli %arg1, %mul3A_6 : i32
    %add3A_8 = arith.constant 0 : i32
    %add3A_9 = arith.addi %mul3A_7, %add3A_8 : i32
    "tpu.region"() ({
      %run_scoped3A = tpu.sem_alloc : memref<!tpu.dma_semaphore, #tpu.memory_space<semaphore_mem>>
      %dma_start3A = arith.constant 0 : i32
      %dma_start3A_31 = tpu.memref_slice %arg8[%add3A_9, %dma_start3A] : memref<10240x128xf32, #tpu.memory_space<vmem_shared>> -> memref<128x128xf32, #tpu.memory_space<vmem_shared>>
      %dma_start3A_32 = arith.constant 0 : i32
      %dma_start3A_33 = tpu.memref_slice %arg8[%add3A_9, %dma_start3A_32] : memref<10240x128xf32, #tpu.memory_space<vmem_shared>> -> memref<128x128xf32, #tpu.memory_space<vmem_shared>>
      tpu.enqueue_dma source(%arg7 : memref<128x128xf32, #tpu.memory_space<vmem>>) target(%dma_start3A_33 : memref<128x128xf32, #tpu.memory_space<vmem_shared>>) target_semaphore(%run_scoped3A : memref<!tpu.dma_semaphore, #tpu.memory_space<semaphore_mem>>)
      %dma_wait3A = arith.constant 0 : i32
      %dma_wait3A_34 = tpu.memref_slice %arg8[%add3A_9, %dma_wait3A] : memref<10240x128xf32, #tpu.memory_space<vmem_shared>> -> memref<128x128xf32, #tpu.memory_space<vmem_shared>>
      %dma_wait3A_35 = arith.constant 0 : i32
      %dma_wait3A_36 = tpu.memref_slice %arg8[%add3A_9, %dma_wait3A_35] : memref<10240x128xf32, #tpu.memory_space<vmem_shared>> -> memref<128x128xf32, #tpu.memory_space<vmem_shared>>
      tpu.wait_dma2 semaphore(%run_scoped3A : memref<!tpu.dma_semaphore, #tpu.memory_space<semaphore_mem>>) src(%arg7 : memref<128x128xf32, #tpu.memory_space<vmem>>) dst(%dma_wait3A_36 : memref<128x128xf32, #tpu.memory_space<vmem_shared>>)
      tpu.yield
    }) : () -> ()
    %add3A_10 = arith.constant 128 : i32
    %add3A_11 = arith.addi %mul3A_7, %add3A_10 : i32
    "tpu.region"() ({
      %run_scoped3A = tpu.sem_alloc : memref<!tpu.dma_semaphore, #tpu.memory_space<semaphore_mem>>
      %dma_start3A = arith.constant 0 : i32
      %dma_start3A_31 = tpu.memref_slice %arg8[%add3A_11, %dma_start3A] : memref<10240x128xf32, #tpu.memory_space<vmem_shared>> -> memref<128x128xf32, #tpu.memory_space<vmem_shared>>
      %dma_start3A_32 = arith.constant 0 : i32
      %dma_start3A_33 = tpu.memref_slice %arg8[%add3A_11, %dma_start3A_32] : memref<10240x128xf32, #tpu.memory_space<vmem_shared>> -> memref<128x128xf32, #tpu.memory_space<vmem_shared>>
      tpu.enqueue_dma source(%arg7 : memref<128x128xf32, #tpu.memory_space<vmem>>) target(%dma_start3A_33 : memref<128x128xf32, #tpu.memory_space<vmem_shared>>) target_semaphore(%run_scoped3A : memref<!tpu.dma_semaphore, #tpu.memory_space<semaphore_mem>>)
      %dma_wait3A = arith.constant 0 : i32
      %dma_wait3A_34 = tpu.memref_slice %arg8[%add3A_11, %dma_wait3A] : memref<10240x128xf32, #tpu.memory_space<vmem_shared>> -> memref<128x128xf32, #tpu.memory_space<vmem_shared>>
      %dma_wait3A_35 = arith.constant 0 : i32
      %dma_wait3A_36 = tpu.memref_slice %arg8[%add3A_11, %dma_wait3A_35] : memref<10240x128xf32, #tpu.memory_space<vmem_shared>> -> memref<128x128xf32, #tpu.memory_space<vmem_shared>>
      tpu.wait_dma2 semaphore(%run_scoped3A : memref<!tpu.dma_semaphore, #tpu.memory_space<semaphore_mem>>) src(%arg7 : memref<128x128xf32, #tpu.memory_space<vmem>>) dst(%dma_wait3A_36 : memref<128x128xf32, #tpu.memory_space<vmem_shared>>)
      tpu.yield
    }) : () -> ()
    %add3A_12 = arith.constant 256 : i32
    %add3A_13 = arith.addi %mul3A_7, %add3A_12 : i32
    "tpu.region"() ({
      %run_scoped3A = tpu.sem_alloc : memref<!tpu.dma_semaphore, #tpu.memory_space<semaphore_mem>>
      %dma_start3A = arith.constant 0 : i32
      %dma_start3A_31 = tpu.memref_slice %arg8[%add3A_13, %dma_start3A] : memref<10240x128xf32, #tpu.memory_space<vmem_shared>> -> memref<128x128xf32, #tpu.memory_space<vmem_shared>>
      %dma_start3A_32 = arith.constant 0 : i32
      %dma_start3A_33 = tpu.memref_slice %arg8[%add3A_13, %dma_start3A_32] : memref<10240x128xf32, #tpu.memory_space<vmem_shared>> -> memref<128x128xf32, #tpu.memory_space<vmem_shared>>
      tpu.enqueue_dma source(%arg7 : memref<128x128xf32, #tpu.memory_space<vmem>>) target(%dma_start3A_33 : memref<128x128xf32, #tpu.memory_space<vmem_shared>>) target_semaphore(%run_scoped3A : memref<!tpu.dma_semaphore, #tpu.memory_space<semaphore_mem>>)
      %dma_wait3A = arith.constant 0 : i32
      %dma_wait3A_34 = tpu.memref_slice %arg8[%add3A_13, %dma_wait3A] : memref<10240x128xf32, #tpu.memory_space<vmem_shared>> -> memref<128x128xf32, #tpu.memory_space<vmem_shared>>
      %dma_wait3A_35 = arith.constant 0 : i32
      %dma_wait3A_36 = tpu.memref_slice %arg8[%add3A_13, %dma_wait3A_35] : memref<10240x128xf32, #tpu.memory_space<vmem_shared>> -> memref<128x128xf32, #tpu.memory_space<vmem_shared>>
      tpu.wait_dma2 semaphore(%run_scoped3A : memref<!tpu.dma_semaphore, #tpu.memory_space<semaphore_mem>>) src(%arg7 : memref<128x128xf32, #tpu.memory_space<vmem>>) dst(%dma_wait3A_36 : memref<128x128xf32, #tpu.memory_space<vmem_shared>>)
      tpu.yield
    }) : () -> ()
    %add3A_14 = arith.constant 384 : i32
    %add3A_15 = arith.addi %mul3A_7, %add3A_14 : i32
    "tpu.region"() ({
      %run_scoped3A = tpu.sem_alloc : memref<!tpu.dma_semaphore, #tpu.memory_space<semaphore_mem>>
      %dma_start3A = arith.constant 0 : i32
      %dma_start3A_31 = tpu.memref_slice %arg8[%add3A_15, %dma_start3A] : memref<10240x128xf32, #tpu.memory_space<vmem_shared>> -> memref<128x128xf32, #tpu.memory_space<vmem_shared>>
      %dma_start3A_32 = arith.constant 0 : i32
      %dma_start3A_33 = tpu.memref_slice %arg8[%add3A_15, %dma_start3A_32] : memref<10240x128xf32, #tpu.memory_space<vmem_shared>> -> memref<128x128xf32, #tpu.memory_space<vmem_shared>>
      tpu.enqueue_dma source(%arg7 : memref<128x128xf32, #tpu.memory_space<vmem>>) target(%dma_start3A_33 : memref<128x128xf32, #tpu.memory_space<vmem_shared>>) target_semaphore(%run_scoped3A : memref<!tpu.dma_semaphore, #tpu.memory_space<semaphore_mem>>)
      %dma_wait3A = arith.constant 0 : i32
      %dma_wait3A_34 = tpu.memref_slice %arg8[%add3A_15, %dma_wait3A] : memref<10240x128xf32, #tpu.memory_space<vmem_shared>> -> memref<128x128xf32, #tpu.memory_space<vmem_shared>>
      %dma_wait3A_35 = arith.constant 0 : i32
      %dma_wait3A_36 = tpu.memref_slice %arg8[%add3A_15, %dma_wait3A_35] : memref<10240x128xf32, #tpu.memory_space<vmem_shared>> -> memref<128x128xf32, #tpu.memory_space<vmem_shared>>
      tpu.wait_dma2 semaphore(%run_scoped3A : memref<!tpu.dma_semaphore, #tpu.memory_space<semaphore_mem>>) src(%arg7 : memref<128x128xf32, #tpu.memory_space<vmem>>) dst(%dma_wait3A_36 : memref<128x128xf32, #tpu.memory_space<vmem_shared>>)
      tpu.yield
    }) : () -> ()
    %add3A_16 = arith.constant 512 : i32
    %add3A_17 = arith.addi %mul3A_7, %add3A_16 : i32
    "tpu.region"() ({
      %run_scoped3A = tpu.sem_alloc : memref<!tpu.dma_semaphore, #tpu.memory_space<semaphore_mem>>
      %dma_start3A = arith.constant 0 : i32
      %dma_start3A_31 = tpu.memref_slice %arg8[%add3A_17, %dma_start3A] : memref<10240x128xf32, #tpu.memory_space<vmem_shared>> -> memref<128x128xf32, #tpu.memory_space<vmem_shared>>
      %dma_start3A_32 = arith.constant 0 : i32
      %dma_start3A_33 = tpu.memref_slice %arg8[%add3A_17, %dma_start3A_32] : memref<10240x128xf32, #tpu.memory_space<vmem_shared>> -> memref<128x128xf32, #tpu.memory_space<vmem_shared>>
      tpu.enqueue_dma source(%arg7 : memref<128x128xf32, #tpu.memory_space<vmem>>) target(%dma_start3A_33 : memref<128x128xf32, #tpu.memory_space<vmem_shared>>) target_semaphore(%run_scoped3A : memref<!tpu.dma_semaphore, #tpu.memory_space<semaphore_mem>>)
      %dma_wait3A = arith.constant 0 : i32
      %dma_wait3A_34 = tpu.memref_slice %arg8[%add3A_17, %dma_wait3A] : memref<10240x128xf32, #tpu.memory_space<vmem_shared>> -> memref<128x128xf32, #tpu.memory_space<vmem_shared>>
      %dma_wait3A_35 = arith.constant 0 : i32
      %dma_wait3A_36 = tpu.memref_slice %arg8[%add3A_17, %dma_wait3A_35] : memref<10240x128xf32, #tpu.memory_space<vmem_shared>> -> memref<128x128xf32, #tpu.memory_space<vmem_shared>>
      tpu.wait_dma2 semaphore(%run_scoped3A : memref<!tpu.dma_semaphore, #tpu.memory_space<semaphore_mem>>) src(%arg7 : memref<128x128xf32, #tpu.memory_space<vmem>>) dst(%dma_wait3A_36 : memref<128x128xf32, #tpu.memory_space<vmem_shared>>)
      tpu.yield
    }) : () -> ()
    %barrier3A = arith.constant 0 : index
    tpu.barrier barrier_id(%barrier3A)
    %lt3A = arith.constant 4 : i32
    %lt3A_18 = arith.cmpi slt, %add3A, %lt3A : i32
    %jit3A = arith.constant 1 : i32
    %jit3A_19 = arith.constant 0 : i32
    %select_n3A = arith.select %lt3A_18, %jit3A, %jit3A_19 : i32
    %add3A_20 = arith.constant 78 : i32
    %add3A_21 = arith.addi %add3A_20, %select_n3A : i32
    %while3A = arith.constant 0 : i32
    %while3A_22 = arith.subi %add3A_21, %while3A : i32
    %while3A_23 = arith.addi %while3A, %while3A_22 : i32
    %while3A_24 = arith.constant 1 : i32
    %while3A_25 = arith.divsi %while3A_22, %while3A_24 : i32
    %while3A_26 = arith.muli %while3A_25, %while3A_24 : i32
    %while3A_27 = arith.addi %while3A, %while3A_26 : i32
    %while3A_28 = arith.constant 1 : i32
    scf.for %while3A_31 = %while3A to %while3A_27 step %while3A_28  : i32 {
      %mul3A_32 = arith.constant 32 : i32
      %mul3A_33 = arith.muli %while3A_31, %mul3A_32 : i32
      %add3A_34 = arith.addi %add3A, %mul3A_33 : i32
      %mul3A_35 = arith.constant 128 : i32
      %mul3A_36 = arith.muli %add3A_34, %mul3A_35 : i32
      %run_scoped3A = arith.constant 0 : i32
      "tpu.region"() ({
        %run_scoped3A_42 = tpu.sem_alloc : memref<!tpu.dma_semaphore, #tpu.memory_space<semaphore_mem>>
        %dma_start3A_43 = tpu.memref_slice %arg3[%run_scoped3A, %mul3A_36] : memref<2x320000xi32, #tpu.memory_space<hbm>> -> memref<1x128xi32, #tpu.memory_space<hbm>>
        %dma_start3A_44 = tpu.memref_squeeze %dma_start3A_43 : memref<1x128xi32, #tpu.memory_space<hbm>> -> memref<128xi32, #tpu.memory_space<hbm>>
        %dma_start3A_45 = tpu.memref_slice %arg3[%run_scoped3A, %mul3A_36] : memref<2x320000xi32, #tpu.memory_space<hbm>> -> memref<1x128xi32, #tpu.memory_space<hbm>>
        %dma_start3A_46 = tpu.memref_squeeze %dma_start3A_45 : memref<1x128xi32, #tpu.memory_space<hbm>> -> memref<128xi32, #tpu.memory_space<hbm>>
        tpu.enqueue_dma source(%dma_start3A_46 : memref<128xi32, #tpu.memory_space<hbm>>) target(%arg5 : memref<128xi32, #tpu.memory_space<vmem>>) target_semaphore(%run_scoped3A_42 : memref<!tpu.dma_semaphore, #tpu.memory_space<semaphore_mem>>)
        %dma_wait3A_47 = tpu.memref_slice %arg3[%run_scoped3A, %mul3A_36] : memref<2x320000xi32, #tpu.memory_space<hbm>> -> memref<1x128xi32, #tpu.memory_space<hbm>>
        %dma_wait3A_48 = tpu.memref_squeeze %dma_wait3A_47 : memref<1x128xi32, #tpu.memory_space<hbm>> -> memref<128xi32, #tpu.memory_space<hbm>>
        %dma_wait3A_49 = tpu.memref_slice %arg3[%run_scoped3A, %mul3A_36] : memref<2x320000xi32, #tpu.memory_space<hbm>> -> memref<1x128xi32, #tpu.memory_space<hbm>>
        %dma_wait3A_50 = tpu.memref_squeeze %dma_wait3A_49 : memref<1x128xi32, #tpu.memory_space<hbm>> -> memref<128xi32, #tpu.memory_space<hbm>>
        tpu.wait_dma2 semaphore(%run_scoped3A_42 : memref<!tpu.dma_semaphore, #tpu.memory_space<semaphore_mem>>) src(%dma_wait3A_50 : memref<128xi32, #tpu.memory_space<hbm>>) dst(%arg5 : memref<128xi32, #tpu.memory_space<vmem>>)
        tpu.yield
      }) : () -> ()
      %run_scoped3A_37 = arith.constant 1 : i32
      "tpu.region"() ({
        %run_scoped3A_42 = tpu.sem_alloc : memref<!tpu.dma_semaphore, #tpu.memory_space<semaphore_mem>>
        %dma_start3A_43 = tpu.memref_slice %arg3[%run_scoped3A_37, %mul3A_36] : memref<2x320000xi32, #tpu.memory_space<hbm>> -> memref<1x128xi32, #tpu.memory_space<hbm>>
        %dma_start3A_44 = tpu.memref_squeeze %dma_start3A_43 : memref<1x128xi32, #tpu.memory_space<hbm>> -> memref<128xi32, #tpu.memory_space<hbm>>
        %dma_start3A_45 = tpu.memref_slice %arg3[%run_scoped3A_37, %mul3A_36] : memref<2x320000xi32, #tpu.memory_space<hbm>> -> memref<1x128xi32, #tpu.memory_space<hbm>>
        %dma_start3A_46 = tpu.memref_squeeze %dma_start3A_45 : memref<1x128xi32, #tpu.memory_space<hbm>> -> memref<128xi32, #tpu.memory_space<hbm>>
        tpu.enqueue_dma source(%dma_start3A_46 : memref<128xi32, #tpu.memory_space<hbm>>) target(%arg6 : memref<128xi32, #tpu.memory_space<vmem>>) target_semaphore(%run_scoped3A_42 : memref<!tpu.dma_semaphore, #tpu.memory_space<semaphore_mem>>)
        %dma_wait3A_47 = tpu.memref_slice %arg3[%run_scoped3A_37, %mul3A_36] : memref<2x320000xi32, #tpu.memory_space<hbm>> -> memref<1x128xi32, #tpu.memory_space<hbm>>
        %dma_wait3A_48 = tpu.memref_squeeze %dma_wait3A_47 : memref<1x128xi32, #tpu.memory_space<hbm>> -> memref<128xi32, #tpu.memory_space<hbm>>
        %dma_wait3A_49 = tpu.memref_slice %arg3[%run_scoped3A_37, %mul3A_36] : memref<2x320000xi32, #tpu.memory_space<hbm>> -> memref<1x128xi32, #tpu.memory_space<hbm>>
        %dma_wait3A_50 = tpu.memref_squeeze %dma_wait3A_49 : memref<1x128xi32, #tpu.memory_space<hbm>> -> memref<128xi32, #tpu.memory_space<hbm>>
        tpu.wait_dma2 semaphore(%run_scoped3A_42 : memref<!tpu.dma_semaphore, #tpu.memory_space<semaphore_mem>>) src(%dma_wait3A_50 : memref<128xi32, #tpu.memory_space<hbm>>) dst(%arg6 : memref<128xi32, #tpu.memory_space<vmem>>)
        tpu.yield
      }) : () -> ()
      %dma_start3A = arith.constant 0 : i32
      %dma_start3A_38 = arith.constant 0 : i32
      %dma_start3A_39 = tpu.memref_slice %arg2[%dma_start3A, %dma_start3A_38] : memref<10240x128xf32, #tpu.memory_space<hbm>> -> memref<10240x128xf32, #tpu.memory_space<hbm>>
      tpu.enqueue_indirect_dma source(%dma_start3A_39 : memref<10240x128xf32, #tpu.memory_space<hbm>>) target(%arg7 : memref<128x128xf32, #tpu.memory_space<vmem>>) offsets(%arg5 : memref<128xi32, #tpu.memory_space<vmem>>) semaphore(%arg9 : memref<!tpu.dma_semaphore, #tpu.memory_space<semaphore_mem>>)
      %dma_wait3A = arith.constant 0 : i32
      %dma_wait3A_40 = arith.constant 0 : i32
      %dma_wait3A_41 = tpu.memref_slice %arg2[%dma_wait3A, %dma_wait3A_40] : memref<10240x128xf32, #tpu.memory_space<hbm>> -> memref<10240x128xf32, #tpu.memory_space<hbm>>
      tpu.wait_indirect_dma semaphore(%arg9 : memref<!tpu.dma_semaphore, #tpu.memory_space<semaphore_mem>>) src(%dma_wait3A_41 : memref<10240x128xf32, #tpu.memory_space<hbm>>) dst(%arg7 : memref<128x128xf32, #tpu.memory_space<vmem>>)
      "tpu.region"() ({
        %run_scoped3A_42 = tpu.sem_alloc : memref<!tpu.dma_semaphore, #tpu.memory_space<semaphore_mem>>
        %dma_start3A_43 = arith.constant 0 : i32
        %dma_start3A_44 = arith.constant 0 : i32
        %dma_start3A_45 = tpu.memref_slice %arg8[%dma_start3A_43, %dma_start3A_44] : memref<10240x128xf32, #tpu.memory_space<vmem_shared>> -> memref<10240x128xf32, #tpu.memory_space<vmem_shared>>
        tpu.enqueue_indirect_dma source(%arg7 : memref<128x128xf32, #tpu.memory_space<vmem>>) target(%dma_start3A_45 : memref<10240x128xf32, #tpu.memory_space<vmem_shared>>) offsets(%arg6 : memref<128xi32, #tpu.memory_space<vmem>>) semaphore(%run_scoped3A_42 : memref<!tpu.dma_semaphore, #tpu.memory_space<semaphore_mem>>) {add = true}
        %dma_wait3A_46 = arith.constant 0 : i32
        %dma_wait3A_47 = arith.constant 0 : i32
        %dma_wait3A_48 = tpu.memref_slice %arg8[%dma_wait3A_46, %dma_wait3A_47] : memref<10240x128xf32, #tpu.memory_space<vmem_shared>> -> memref<10240x128xf32, #tpu.memory_space<vmem_shared>>
        tpu.wait_indirect_dma semaphore(%run_scoped3A_42 : memref<!tpu.dma_semaphore, #tpu.memory_space<semaphore_mem>>) src(%arg7 : memref<128x128xf32, #tpu.memory_space<vmem>>) dst(%dma_wait3A_48 : memref<10240x128xf32, #tpu.memory_space<vmem_shared>>)
        tpu.yield
      }) : () -> ()
    }
    %while3A_29 = arith.constant 1 : i32
    scf.for %while3A_31 = %while3A_27 to %while3A_23 step %while3A_29  : i32 {
      %mul3A_32 = arith.constant 32 : i32
      %mul3A_33 = arith.muli %while3A_31, %mul3A_32 : i32
      %add3A_34 = arith.addi %add3A, %mul3A_33 : i32
      %mul3A_35 = arith.constant 128 : i32
      %mul3A_36 = arith.muli %add3A_34, %mul3A_35 : i32
      %run_scoped3A = arith.constant 0 : i32
      "tpu.region"() ({
        %run_scoped3A_42 = tpu.sem_alloc : memref<!tpu.dma_semaphore, #tpu.memory_space<semaphore_mem>>
        %dma_start3A_43 = tpu.memref_slice %arg3[%run_scoped3A, %mul3A_36] : memref<2x320000xi32, #tpu.memory_space<hbm>> -> memref<1x128xi32, #tpu.memory_space<hbm>>
        %dma_start3A_44 = tpu.memref_squeeze %dma_start3A_43 : memref<1x128xi32, #tpu.memory_space<hbm>> -> memref<128xi32, #tpu.memory_space<hbm>>
        %dma_start3A_45 = tpu.memref_slice %arg3[%run_scoped3A, %mul3A_36] : memref<2x320000xi32, #tpu.memory_space<hbm>> -> memref<1x128xi32, #tpu.memory_space<hbm>>
        %dma_start3A_46 = tpu.memref_squeeze %dma_start3A_45 : memref<1x128xi32, #tpu.memory_space<hbm>> -> memref<128xi32, #tpu.memory_space<hbm>>
        tpu.enqueue_dma source(%dma_start3A_46 : memref<128xi32, #tpu.memory_space<hbm>>) target(%arg5 : memref<128xi32, #tpu.memory_space<vmem>>) target_semaphore(%run_scoped3A_42 : memref<!tpu.dma_semaphore, #tpu.memory_space<semaphore_mem>>)
        %dma_wait3A_47 = tpu.memref_slice %arg3[%run_scoped3A, %mul3A_36] : memref<2x320000xi32, #tpu.memory_space<hbm>> -> memref<1x128xi32, #tpu.memory_space<hbm>>
        %dma_wait3A_48 = tpu.memref_squeeze %dma_wait3A_47 : memref<1x128xi32, #tpu.memory_space<hbm>> -> memref<128xi32, #tpu.memory_space<hbm>>
        %dma_wait3A_49 = tpu.memref_slice %arg3[%run_scoped3A, %mul3A_36] : memref<2x320000xi32, #tpu.memory_space<hbm>> -> memref<1x128xi32, #tpu.memory_space<hbm>>
        %dma_wait3A_50 = tpu.memref_squeeze %dma_wait3A_49 : memref<1x128xi32, #tpu.memory_space<hbm>> -> memref<128xi32, #tpu.memory_space<hbm>>
        tpu.wait_dma2 semaphore(%run_scoped3A_42 : memref<!tpu.dma_semaphore, #tpu.memory_space<semaphore_mem>>) src(%dma_wait3A_50 : memref<128xi32, #tpu.memory_space<hbm>>) dst(%arg5 : memref<128xi32, #tpu.memory_space<vmem>>)
        tpu.yield
      }) : () -> ()
      %run_scoped3A_37 = arith.constant 1 : i32
      "tpu.region"() ({
        %run_scoped3A_42 = tpu.sem_alloc : memref<!tpu.dma_semaphore, #tpu.memory_space<semaphore_mem>>
        %dma_start3A_43 = tpu.memref_slice %arg3[%run_scoped3A_37, %mul3A_36] : memref<2x320000xi32, #tpu.memory_space<hbm>> -> memref<1x128xi32, #tpu.memory_space<hbm>>
        %dma_start3A_44 = tpu.memref_squeeze %dma_start3A_43 : memref<1x128xi32, #tpu.memory_space<hbm>> -> memref<128xi32, #tpu.memory_space<hbm>>
        %dma_start3A_45 = tpu.memref_slice %arg3[%run_scoped3A_37, %mul3A_36] : memref<2x320000xi32, #tpu.memory_space<hbm>> -> memref<1x128xi32, #tpu.memory_space<hbm>>
        %dma_start3A_46 = tpu.memref_squeeze %dma_start3A_45 : memref<1x128xi32, #tpu.memory_space<hbm>> -> memref<128xi32, #tpu.memory_space<hbm>>
        tpu.enqueue_dma source(%dma_start3A_46 : memref<128xi32, #tpu.memory_space<hbm>>) target(%arg6 : memref<128xi32, #tpu.memory_space<vmem>>) target_semaphore(%run_scoped3A_42 : memref<!tpu.dma_semaphore, #tpu.memory_space<semaphore_mem>>)
        %dma_wait3A_47 = tpu.memref_slice %arg3[%run_scoped3A_37, %mul3A_36] : memref<2x320000xi32, #tpu.memory_space<hbm>> -> memref<1x128xi32, #tpu.memory_space<hbm>>
        %dma_wait3A_48 = tpu.memref_squeeze %dma_wait3A_47 : memref<1x128xi32, #tpu.memory_space<hbm>> -> memref<128xi32, #tpu.memory_space<hbm>>
        %dma_wait3A_49 = tpu.memref_slice %arg3[%run_scoped3A_37, %mul3A_36] : memref<2x320000xi32, #tpu.memory_space<hbm>> -> memref<1x128xi32, #tpu.memory_space<hbm>>
        %dma_wait3A_50 = tpu.memref_squeeze %dma_wait3A_49 : memref<1x128xi32, #tpu.memory_space<hbm>> -> memref<128xi32, #tpu.memory_space<hbm>>
        tpu.wait_dma2 semaphore(%run_scoped3A_42 : memref<!tpu.dma_semaphore, #tpu.memory_space<semaphore_mem>>) src(%dma_wait3A_50 : memref<128xi32, #tpu.memory_space<hbm>>) dst(%arg6 : memref<128xi32, #tpu.memory_space<vmem>>)
        tpu.yield
      }) : () -> ()
      %dma_start3A = arith.constant 0 : i32
      %dma_start3A_38 = arith.constant 0 : i32
      %dma_start3A_39 = tpu.memref_slice %arg2[%dma_start3A, %dma_start3A_38] : memref<10240x128xf32, #tpu.memory_space<hbm>> -> memref<10240x128xf32, #tpu.memory_space<hbm>>
      tpu.enqueue_indirect_dma source(%dma_start3A_39 : memref<10240x128xf32, #tpu.memory_space<hbm>>) target(%arg7 : memref<128x128xf32, #tpu.memory_space<vmem>>) offsets(%arg5 : memref<128xi32, #tpu.memory_space<vmem>>) semaphore(%arg9 : memref<!tpu.dma_semaphore, #tpu.memory_space<semaphore_mem>>)
      %dma_wait3A = arith.constant 0 : i32
      %dma_wait3A_40 = arith.constant 0 : i32
      %dma_wait3A_41 = tpu.memref_slice %arg2[%dma_wait3A, %dma_wait3A_40] : memref<10240x128xf32, #tpu.memory_space<hbm>> -> memref<10240x128xf32, #tpu.memory_space<hbm>>
      tpu.wait_indirect_dma semaphore(%arg9 : memref<!tpu.dma_semaphore, #tpu.memory_space<semaphore_mem>>) src(%dma_wait3A_41 : memref<10240x128xf32, #tpu.memory_space<hbm>>) dst(%arg7 : memref<128x128xf32, #tpu.memory_space<vmem>>)
      "tpu.region"() ({
        %run_scoped3A_42 = tpu.sem_alloc : memref<!tpu.dma_semaphore, #tpu.memory_space<semaphore_mem>>
        %dma_start3A_43 = arith.constant 0 : i32
        %dma_start3A_44 = arith.constant 0 : i32
        %dma_start3A_45 = tpu.memref_slice %arg8[%dma_start3A_43, %dma_start3A_44] : memref<10240x128xf32, #tpu.memory_space<vmem_shared>> -> memref<10240x128xf32, #tpu.memory_space<vmem_shared>>
        tpu.enqueue_indirect_dma source(%arg7 : memref<128x128xf32, #tpu.memory_space<vmem>>) target(%dma_start3A_45 : memref<10240x128xf32, #tpu.memory_space<vmem_shared>>) offsets(%arg6 : memref<128xi32, #tpu.memory_space<vmem>>) semaphore(%run_scoped3A_42 : memref<!tpu.dma_semaphore, #tpu.memory_space<semaphore_mem>>) {add = true}
        %dma_wait3A_46 = arith.constant 0 : i32
        %dma_wait3A_47 = arith.constant 0 : i32
        %dma_wait3A_48 = tpu.memref_slice %arg8[%dma_wait3A_46, %dma_wait3A_47] : memref<10240x128xf32, #tpu.memory_space<vmem_shared>> -> memref<10240x128xf32, #tpu.memory_space<vmem_shared>>
        tpu.wait_indirect_dma semaphore(%run_scoped3A_42 : memref<!tpu.dma_semaphore, #tpu.memory_space<semaphore_mem>>) src(%arg7 : memref<128x128xf32, #tpu.memory_space<vmem>>) dst(%dma_wait3A_48 : memref<10240x128xf32, #tpu.memory_space<vmem_shared>>)
        tpu.yield
      }) : () -> ()
    }
    %barrier3A_30 = arith.constant 0 : index
    tpu.barrier barrier_id(%barrier3A_30)
    "tpu.region"() ({
      %run_scoped3A = tpu.sem_alloc : memref<!tpu.dma_semaphore, #tpu.memory_space<semaphore_mem>>
      %dma_start3A = arith.constant 0 : i32
      %dma_start3A_31 = tpu.memref_slice %arg4[%arg0, %mul3A_7, %dma_start3A] : memref<2x10240x128xf32, #tpu.memory_space<hbm>> -> memref<1x640x128xf32, #tpu.memory_space<hbm>>
      %dma_start3A_32 = tpu.memref_squeeze %dma_start3A_31 : memref<1x640x128xf32, #tpu.memory_space<hbm>> -> memref<640x128xf32, #tpu.memory_space<hbm>>
      %dma_start3A_33 = arith.constant 0 : i32
      %dma_start3A_34 = tpu.memref_slice %arg8[%mul3A_7, %dma_start3A_33] : memref<10240x128xf32, #tpu.memory_space<vmem_shared>> -> memref<640x128xf32, #tpu.memory_space<vmem_shared>>
      tpu.enqueue_dma source(%dma_start3A_34 : memref<640x128xf32, #tpu.memory_space<vmem_shared>>) target(%dma_start3A_32 : memref<640x128xf32, #tpu.memory_space<hbm>>) target_semaphore(%run_scoped3A : memref<!tpu.dma_semaphore, #tpu.memory_space<semaphore_mem>>)
      %dma_wait3A = arith.constant 0 : i32
      %dma_wait3A_35 = tpu.memref_slice %arg4[%arg0, %mul3A_7, %dma_wait3A] : memref<2x10240x128xf32, #tpu.memory_space<hbm>> -> memref<1x640x128xf32, #tpu.memory_space<hbm>>
      %dma_wait3A_36 = tpu.memref_squeeze %dma_wait3A_35 : memref<1x640x128xf32, #tpu.memory_space<hbm>> -> memref<640x128xf32, #tpu.memory_space<hbm>>
      %dma_wait3A_37 = arith.constant 0 : i32
      %dma_wait3A_38 = tpu.memref_slice %arg8[%mul3A_7, %dma_wait3A_37] : memref<10240x128xf32, #tpu.memory_space<vmem_shared>> -> memref<640x128xf32, #tpu.memory_space<vmem_shared>>
      tpu.wait_dma2 semaphore(%run_scoped3A : memref<!tpu.dma_semaphore, #tpu.memory_space<semaphore_mem>>) src(%dma_wait3A_38 : memref<640x128xf32, #tpu.memory_space<vmem_shared>>) dst(%dma_wait3A_36 : memref<640x128xf32, #tpu.memory_space<hbm>>)
      tpu.yield
    }) : () -> ()
    return
  }
}

#map = affine_map<(d0, d1) -> (0, 0)>
#map1 = affine_map<(d0, d1) -> (0, 0, 0)>
module attributes {stable_mosaic.version = 14 : i64} {
  func.func @_aggregate_kernel(%arg0: i32, %arg1: i32, %arg2: memref<10240x128xf32, #tpu.memory_space<hbm>>, %arg3: memref<2x320000xi32, #tpu.memory_space<hbm>>, %arg4: memref<2x10240x128xf32, #tpu.memory_space<hbm>>, %arg5: memref<128xi32, #tpu.memory_space<vmem>>, %arg6: memref<128xi32, #tpu.memory_space<vmem>>, %arg7: memref<128x128xf32, #tpu.memory_space<vmem>>, %arg8: memref<10240x128xf32, #tpu.memory_space<vmem_shared>>, %arg9: memref<!tpu.dma_semaphore, #tpu.memory_space<semaphore_mem>>) attributes {dimension_semantics = [#tpu.dimension_semantics<core_parallel>, #tpu.dimension_semantics<subcore_parallel>], iteration_bounds = array<i64: 2, 16>, scalar_prefetch = 0 : i64, scratch_operands = 5 : i64, tpu.core_type = #tpu.core_type<sc_vector_subcore>, window_params = [{transform_indices = #map}, {transform_indices = #map}, {transform_indices = #map1}]} {
    %mul3A = arith.constant 2 : i32
    %mul3A_0 = arith.muli %arg1, %mul3A : i32
    %add3A = arith.addi %mul3A_0, %arg0 : i32
    %broadcast_in_dim3A = arith.constant 0.000000e+00 : f32
    %broadcast_in_dim3A_1 = vector.broadcast %broadcast_in_dim3A : f32 to vector<16xf32>
    %scan3A = arith.constant 0 : i32
    %scan3A_2 = arith.constant 1024 : i32
    %scan3A_3 = arith.addi %scan3A, %scan3A_2 : i32
    %scan3A_4 = arith.constant 1 : i32
    scf.for %scan3A_31 = %scan3A to %scan3A_3 step %scan3A_4  : i32 {
      %jit3A_32 = arith.constant 8 : i32
      %div3A = arith.divsi %scan3A_31, %jit3A_32 : i32
      %sign3A = arith.constant 0 : i32
      %sign3A_33 = arith.cmpi sgt, %scan3A_31, %sign3A : i32
      %sign3A_34 = arith.extui %sign3A_33 : i1 to i32
      %sign3A_35 = arith.constant 0 : i32
      %sign3A_36 = arith.cmpi slt, %scan3A_31, %sign3A_35 : i32
      %sign3A_37 = arith.extui %sign3A_36 : i1 to i32
      %sign3A_38 = arith.subi %sign3A_34, %sign3A_37 : i32
      %sign3A_39 = arith.constant 0 : i32
      %sign3A_40 = arith.cmpi sgt, %jit3A_32, %sign3A_39 : i32
      %sign3A_41 = arith.extui %sign3A_40 : i1 to i32
      %sign3A_42 = arith.constant 0 : i32
      %sign3A_43 = arith.cmpi slt, %jit3A_32, %sign3A_42 : i32
      %sign3A_44 = arith.extui %sign3A_43 : i1 to i32
      %sign3A_45 = arith.subi %sign3A_41, %sign3A_44 : i32
      %ne3A = arith.cmpi ne, %sign3A_38, %sign3A_45 : i32
      %rem3A = arith.remsi %scan3A_31, %jit3A_32 : i32
      %ne3A_46 = arith.constant 0 : i32
      %ne3A_47 = arith.cmpi ne, %rem3A, %ne3A_46 : i32
      %and3A = arith.andi %ne3A, %ne3A_47 : i1
      %sub3A = arith.constant 1 : i32
      %sub3A_48 = arith.subi %div3A, %sub3A : i32
      %select_n3A_49 = arith.select %and3A, %sub3A_48, %div3A : i32
      %jit3A_50 = arith.constant 8 : i32
      %eq3A = arith.constant 0 : i32
      %eq3A_51 = arith.cmpi eq, %jit3A_50, %eq3A : i32
      %jit3A_52 = arith.constant 1 : i32
      %select_n3A_53 = arith.select %eq3A_51, %jit3A_52, %jit3A_50 : i32
      %rem3A_54 = arith.remsi %scan3A_31, %select_n3A_53 : i32
      %ne3A_55 = arith.constant 0 : i32
      %ne3A_56 = arith.cmpi ne, %rem3A_54, %ne3A_55 : i32
      %lt3A_57 = arith.constant 0 : i32
      %lt3A_58 = arith.cmpi slt, %rem3A_54, %lt3A_57 : i32
      %lt3A_59 = arith.constant 0 : i32
      %lt3A_60 = arith.cmpi slt, %select_n3A_53, %lt3A_59 : i32
      %ne3A_61 = arith.xori %lt3A_58, %lt3A_60 : i1
      %and3A_62 = arith.andi %ne3A_61, %ne3A_56 : i1
      %add3A_63 = arith.addi %rem3A_54, %select_n3A_53 : i32
      %select_n3A_64 = arith.select %and3A_62, %add3A_63, %rem3A_54 : i32
      %mul3A_65 = arith.constant 16 : i32
      %mul3A_66 = arith.muli %select_n3A_64, %mul3A_65 : i32
      %swap3A = arith.index_cast %select_n3A_49 : i32 to index
      %swap3A_67 = arith.index_cast %mul3A_66 : i32 to index
      %swap3A_68 = tpu.vector_load %arg7[%swap3A, %swap3A_67] {strides = array<i32>} : memref<128x128xf32, #tpu.memory_space<vmem>>, vector<1x16xf32>,
      %swap3A_69 = vector.shape_cast %swap3A_68 : vector<1x16xf32> to vector<16xf32>
      %swap3A_70 = vector.shape_cast %broadcast_in_dim3A_1 : vector<16xf32> to vector<1x16xf32>
      tpu.vector_store %arg7[%swap3A, %swap3A_67], %swap3A_70 {strides = array<i32>} : memref<128x128xf32, #tpu.memory_space<vmem>>, vector<1x16xf32>,
    }
    %scan3A_5 = arith.constant 1024 : i32
    %mul3A_6 = arith.constant 640 : i32
    %mul3A_7 = arith.muli %arg1, %mul3A_6 : i32
    %add3A_8 = arith.constant 0 : i32
    %add3A_9 = arith.addi %mul3A_7, %add3A_8 : i32
    "tpu.region"() ({
      %run_scoped3A = tpu.sem_alloc : memref<!tpu.dma_semaphore, #tpu.memory_space<semaphore_mem>>
      %dma_start3A = arith.constant 0 : i32
      %dma_start3A_31 = tpu.memref_slice %arg8[%add3A_9, %dma_start3A] : memref<10240x128xf32, #tpu.memory_space<vmem_shared>> -> memref<128x128xf32, #tpu.memory_space<vmem_shared>>
      %dma_start3A_32 = arith.constant 0 : i32
      %dma_start3A_33 = tpu.memref_slice %arg8[%add3A_9, %dma_start3A_32] : memref<10240x128xf32, #tpu.memory_space<vmem_shared>> -> memref<128x128xf32, #tpu.memory_space<vmem_shared>>
      tpu.enqueue_dma source(%arg7 : memref<128x128xf32, #tpu.memory_space<vmem>>) target(%dma_start3A_33 : memref<128x128xf32, #tpu.memory_space<vmem_shared>>) target_semaphore(%run_scoped3A : memref<!tpu.dma_semaphore, #tpu.memory_space<semaphore_mem>>)
      %dma_wait3A = arith.constant 0 : i32
      %dma_wait3A_34 = tpu.memref_slice %arg8[%add3A_9, %dma_wait3A] : memref<10240x128xf32, #tpu.memory_space<vmem_shared>> -> memref<128x128xf32, #tpu.memory_space<vmem_shared>>
      %dma_wait3A_35 = arith.constant 0 : i32
      %dma_wait3A_36 = tpu.memref_slice %arg8[%add3A_9, %dma_wait3A_35] : memref<10240x128xf32, #tpu.memory_space<vmem_shared>> -> memref<128x128xf32, #tpu.memory_space<vmem_shared>>
      tpu.wait_dma2 semaphore(%run_scoped3A : memref<!tpu.dma_semaphore, #tpu.memory_space<semaphore_mem>>) src(%arg7 : memref<128x128xf32, #tpu.memory_space<vmem>>) dst(%dma_wait3A_36 : memref<128x128xf32, #tpu.memory_space<vmem_shared>>)
      tpu.yield
    }) : () -> ()
    %add3A_10 = arith.constant 128 : i32
    %add3A_11 = arith.addi %mul3A_7, %add3A_10 : i32
    "tpu.region"() ({
      %run_scoped3A = tpu.sem_alloc : memref<!tpu.dma_semaphore, #tpu.memory_space<semaphore_mem>>
      %dma_start3A = arith.constant 0 : i32
      %dma_start3A_31 = tpu.memref_slice %arg8[%add3A_11, %dma_start3A] : memref<10240x128xf32, #tpu.memory_space<vmem_shared>> -> memref<128x128xf32, #tpu.memory_space<vmem_shared>>
      %dma_start3A_32 = arith.constant 0 : i32
      %dma_start3A_33 = tpu.memref_slice %arg8[%add3A_11, %dma_start3A_32] : memref<10240x128xf32, #tpu.memory_space<vmem_shared>> -> memref<128x128xf32, #tpu.memory_space<vmem_shared>>
      tpu.enqueue_dma source(%arg7 : memref<128x128xf32, #tpu.memory_space<vmem>>) target(%dma_start3A_33 : memref<128x128xf32, #tpu.memory_space<vmem_shared>>) target_semaphore(%run_scoped3A : memref<!tpu.dma_semaphore, #tpu.memory_space<semaphore_mem>>)
      %dma_wait3A = arith.constant 0 : i32
      %dma_wait3A_34 = tpu.memref_slice %arg8[%add3A_11, %dma_wait3A] : memref<10240x128xf32, #tpu.memory_space<vmem_shared>> -> memref<128x128xf32, #tpu.memory_space<vmem_shared>>
      %dma_wait3A_35 = arith.constant 0 : i32
      %dma_wait3A_36 = tpu.memref_slice %arg8[%add3A_11, %dma_wait3A_35] : memref<10240x128xf32, #tpu.memory_space<vmem_shared>> -> memref<128x128xf32, #tpu.memory_space<vmem_shared>>
      tpu.wait_dma2 semaphore(%run_scoped3A : memref<!tpu.dma_semaphore, #tpu.memory_space<semaphore_mem>>) src(%arg7 : memref<128x128xf32, #tpu.memory_space<vmem>>) dst(%dma_wait3A_36 : memref<128x128xf32, #tpu.memory_space<vmem_shared>>)
      tpu.yield
    }) : () -> ()
    %add3A_12 = arith.constant 256 : i32
    %add3A_13 = arith.addi %mul3A_7, %add3A_12 : i32
    "tpu.region"() ({
      %run_scoped3A = tpu.sem_alloc : memref<!tpu.dma_semaphore, #tpu.memory_space<semaphore_mem>>
      %dma_start3A = arith.constant 0 : i32
      %dma_start3A_31 = tpu.memref_slice %arg8[%add3A_13, %dma_start3A] : memref<10240x128xf32, #tpu.memory_space<vmem_shared>> -> memref<128x128xf32, #tpu.memory_space<vmem_shared>>
      %dma_start3A_32 = arith.constant 0 : i32
      %dma_start3A_33 = tpu.memref_slice %arg8[%add3A_13, %dma_start3A_32] : memref<10240x128xf32, #tpu.memory_space<vmem_shared>> -> memref<128x128xf32, #tpu.memory_space<vmem_shared>>
      tpu.enqueue_dma source(%arg7 : memref<128x128xf32, #tpu.memory_space<vmem>>) target(%dma_start3A_33 : memref<128x128xf32, #tpu.memory_space<vmem_shared>>) target_semaphore(%run_scoped3A : memref<!tpu.dma_semaphore, #tpu.memory_space<semaphore_mem>>)
      %dma_wait3A = arith.constant 0 : i32
      %dma_wait3A_34 = tpu.memref_slice %arg8[%add3A_13, %dma_wait3A] : memref<10240x128xf32, #tpu.memory_space<vmem_shared>> -> memref<128x128xf32, #tpu.memory_space<vmem_shared>>
      %dma_wait3A_35 = arith.constant 0 : i32
      %dma_wait3A_36 = tpu.memref_slice %arg8[%add3A_13, %dma_wait3A_35] : memref<10240x128xf32, #tpu.memory_space<vmem_shared>> -> memref<128x128xf32, #tpu.memory_space<vmem_shared>>
      tpu.wait_dma2 semaphore(%run_scoped3A : memref<!tpu.dma_semaphore, #tpu.memory_space<semaphore_mem>>) src(%arg7 : memref<128x128xf32, #tpu.memory_space<vmem>>) dst(%dma_wait3A_36 : memref<128x128xf32, #tpu.memory_space<vmem_shared>>)
      tpu.yield
    }) : () -> ()
    %add3A_14 = arith.constant 384 : i32
    %add3A_15 = arith.addi %mul3A_7, %add3A_14 : i32
    "tpu.region"() ({
      %run_scoped3A = tpu.sem_alloc : memref<!tpu.dma_semaphore, #tpu.memory_space<semaphore_mem>>
      %dma_start3A = arith.constant 0 : i32
      %dma_start3A_31 = tpu.memref_slice %arg8[%add3A_15, %dma_start3A] : memref<10240x128xf32, #tpu.memory_space<vmem_shared>> -> memref<128x128xf32, #tpu.memory_space<vmem_shared>>
      %dma_start3A_32 = arith.constant 0 : i32
      %dma_start3A_33 = tpu.memref_slice %arg8[%add3A_15, %dma_start3A_32] : memref<10240x128xf32, #tpu.memory_space<vmem_shared>> -> memref<128x128xf32, #tpu.memory_space<vmem_shared>>
      tpu.enqueue_dma source(%arg7 : memref<128x128xf32, #tpu.memory_space<vmem>>) target(%dma_start3A_33 : memref<128x128xf32, #tpu.memory_space<vmem_shared>>) target_semaphore(%run_scoped3A : memref<!tpu.dma_semaphore, #tpu.memory_space<semaphore_mem>>)
      %dma_wait3A = arith.constant 0 : i32
      %dma_wait3A_34 = tpu.memref_slice %arg8[%add3A_15, %dma_wait3A] : memref<10240x128xf32, #tpu.memory_space<vmem_shared>> -> memref<128x128xf32, #tpu.memory_space<vmem_shared>>
      %dma_wait3A_35 = arith.constant 0 : i32
      %dma_wait3A_36 = tpu.memref_slice %arg8[%add3A_15, %dma_wait3A_35] : memref<10240x128xf32, #tpu.memory_space<vmem_shared>> -> memref<128x128xf32, #tpu.memory_space<vmem_shared>>
      tpu.wait_dma2 semaphore(%run_scoped3A : memref<!tpu.dma_semaphore, #tpu.memory_space<semaphore_mem>>) src(%arg7 : memref<128x128xf32, #tpu.memory_space<vmem>>) dst(%dma_wait3A_36 : memref<128x128xf32, #tpu.memory_space<vmem_shared>>)
      tpu.yield
    }) : () -> ()
    %add3A_16 = arith.constant 512 : i32
    %add3A_17 = arith.addi %mul3A_7, %add3A_16 : i32
    "tpu.region"() ({
      %run_scoped3A = tpu.sem_alloc : memref<!tpu.dma_semaphore, #tpu.memory_space<semaphore_mem>>
      %dma_start3A = arith.constant 0 : i32
      %dma_start3A_31 = tpu.memref_slice %arg8[%add3A_17, %dma_start3A] : memref<10240x128xf32, #tpu.memory_space<vmem_shared>> -> memref<128x128xf32, #tpu.memory_space<vmem_shared>>
      %dma_start3A_32 = arith.constant 0 : i32
      %dma_start3A_33 = tpu.memref_slice %arg8[%add3A_17, %dma_start3A_32] : memref<10240x128xf32, #tpu.memory_space<vmem_shared>> -> memref<128x128xf32, #tpu.memory_space<vmem_shared>>
      tpu.enqueue_dma source(%arg7 : memref<128x128xf32, #tpu.memory_space<vmem>>) target(%dma_start3A_33 : memref<128x128xf32, #tpu.memory_space<vmem_shared>>) target_semaphore(%run_scoped3A : memref<!tpu.dma_semaphore, #tpu.memory_space<semaphore_mem>>)
      %dma_wait3A = arith.constant 0 : i32
      %dma_wait3A_34 = tpu.memref_slice %arg8[%add3A_17, %dma_wait3A] : memref<10240x128xf32, #tpu.memory_space<vmem_shared>> -> memref<128x128xf32, #tpu.memory_space<vmem_shared>>
      %dma_wait3A_35 = arith.constant 0 : i32
      %dma_wait3A_36 = tpu.memref_slice %arg8[%add3A_17, %dma_wait3A_35] : memref<10240x128xf32, #tpu.memory_space<vmem_shared>> -> memref<128x128xf32, #tpu.memory_space<vmem_shared>>
      tpu.wait_dma2 semaphore(%run_scoped3A : memref<!tpu.dma_semaphore, #tpu.memory_space<semaphore_mem>>) src(%arg7 : memref<128x128xf32, #tpu.memory_space<vmem>>) dst(%dma_wait3A_36 : memref<128x128xf32, #tpu.memory_space<vmem_shared>>)
      tpu.yield
    }) : () -> ()
    %barrier3A = arith.constant 0 : index
    tpu.barrier barrier_id(%barrier3A)
    %lt3A = arith.constant 4 : i32
    %lt3A_18 = arith.cmpi slt, %add3A, %lt3A : i32
    %jit3A = arith.constant 1 : i32
    %jit3A_19 = arith.constant 0 : i32
    %select_n3A = arith.select %lt3A_18, %jit3A, %jit3A_19 : i32
    %add3A_20 = arith.constant 78 : i32
    %add3A_21 = arith.addi %add3A_20, %select_n3A : i32
    %while3A = arith.constant 0 : i32
    %while3A_22 = arith.subi %add3A_21, %while3A : i32
    %while3A_23 = arith.addi %while3A, %while3A_22 : i32
    %while3A_24 = arith.constant 1 : i32
    %while3A_25 = arith.divsi %while3A_22, %while3A_24 : i32
    %while3A_26 = arith.muli %while3A_25, %while3A_24 : i32
    %while3A_27 = arith.addi %while3A, %while3A_26 : i32
    %while3A_28 = arith.constant 1 : i32
    scf.for %while3A_31 = %while3A to %while3A_27 step %while3A_28  : i32 {
      %mul3A_32 = arith.constant 32 : i32
      %mul3A_33 = arith.muli %while3A_31, %mul3A_32 : i32
      %add3A_34 = arith.addi %add3A, %mul3A_33 : i32
      %mul3A_35 = arith.constant 128 : i32
      %mul3A_36 = arith.muli %add3A_34, %mul3A_35 : i32
      %run_scoped3A = arith.constant 0 : i32
      "tpu.region"() ({
        %run_scoped3A_42 = tpu.sem_alloc : memref<!tpu.dma_semaphore, #tpu.memory_space<semaphore_mem>>
        %dma_start3A_43 = tpu.memref_slice %arg3[%run_scoped3A, %mul3A_36] : memref<2x320000xi32, #tpu.memory_space<hbm>> -> memref<1x128xi32, #tpu.memory_space<hbm>>
        %dma_start3A_44 = tpu.memref_squeeze %dma_start3A_43 : memref<1x128xi32, #tpu.memory_space<hbm>> -> memref<128xi32, #tpu.memory_space<hbm>>
        %dma_start3A_45 = tpu.memref_slice %arg3[%run_scoped3A, %mul3A_36] : memref<2x320000xi32, #tpu.memory_space<hbm>> -> memref<1x128xi32, #tpu.memory_space<hbm>>
        %dma_start3A_46 = tpu.memref_squeeze %dma_start3A_45 : memref<1x128xi32, #tpu.memory_space<hbm>> -> memref<128xi32, #tpu.memory_space<hbm>>
        tpu.enqueue_dma source(%dma_start3A_46 : memref<128xi32, #tpu.memory_space<hbm>>) target(%arg5 : memref<128xi32, #tpu.memory_space<vmem>>) target_semaphore(%run_scoped3A_42 : memref<!tpu.dma_semaphore, #tpu.memory_space<semaphore_mem>>)
        %dma_wait3A_47 = tpu.memref_slice %arg3[%run_scoped3A, %mul3A_36] : memref<2x320000xi32, #tpu.memory_space<hbm>> -> memref<1x128xi32, #tpu.memory_space<hbm>>
        %dma_wait3A_48 = tpu.memref_squeeze %dma_wait3A_47 : memref<1x128xi32, #tpu.memory_space<hbm>> -> memref<128xi32, #tpu.memory_space<hbm>>
        %dma_wait3A_49 = tpu.memref_slice %arg3[%run_scoped3A, %mul3A_36] : memref<2x320000xi32, #tpu.memory_space<hbm>> -> memref<1x128xi32, #tpu.memory_space<hbm>>
        %dma_wait3A_50 = tpu.memref_squeeze %dma_wait3A_49 : memref<1x128xi32, #tpu.memory_space<hbm>> -> memref<128xi32, #tpu.memory_space<hbm>>
        tpu.wait_dma2 semaphore(%run_scoped3A_42 : memref<!tpu.dma_semaphore, #tpu.memory_space<semaphore_mem>>) src(%dma_wait3A_50 : memref<128xi32, #tpu.memory_space<hbm>>) dst(%arg5 : memref<128xi32, #tpu.memory_space<vmem>>)
        tpu.yield
      }) : () -> ()
      %run_scoped3A_37 = arith.constant 1 : i32
      "tpu.region"() ({
        %run_scoped3A_42 = tpu.sem_alloc : memref<!tpu.dma_semaphore, #tpu.memory_space<semaphore_mem>>
        %dma_start3A_43 = tpu.memref_slice %arg3[%run_scoped3A_37, %mul3A_36] : memref<2x320000xi32, #tpu.memory_space<hbm>> -> memref<1x128xi32, #tpu.memory_space<hbm>>
        %dma_start3A_44 = tpu.memref_squeeze %dma_start3A_43 : memref<1x128xi32, #tpu.memory_space<hbm>> -> memref<128xi32, #tpu.memory_space<hbm>>
        %dma_start3A_45 = tpu.memref_slice %arg3[%run_scoped3A_37, %mul3A_36] : memref<2x320000xi32, #tpu.memory_space<hbm>> -> memref<1x128xi32, #tpu.memory_space<hbm>>
        %dma_start3A_46 = tpu.memref_squeeze %dma_start3A_45 : memref<1x128xi32, #tpu.memory_space<hbm>> -> memref<128xi32, #tpu.memory_space<hbm>>
        tpu.enqueue_dma source(%dma_start3A_46 : memref<128xi32, #tpu.memory_space<hbm>>) target(%arg6 : memref<128xi32, #tpu.memory_space<vmem>>) target_semaphore(%run_scoped3A_42 : memref<!tpu.dma_semaphore, #tpu.memory_space<semaphore_mem>>)
        %dma_wait3A_47 = tpu.memref_slice %arg3[%run_scoped3A_37, %mul3A_36] : memref<2x320000xi32, #tpu.memory_space<hbm>> -> memref<1x128xi32, #tpu.memory_space<hbm>>
        %dma_wait3A_48 = tpu.memref_squeeze %dma_wait3A_47 : memref<1x128xi32, #tpu.memory_space<hbm>> -> memref<128xi32, #tpu.memory_space<hbm>>
        %dma_wait3A_49 = tpu.memref_slice %arg3[%run_scoped3A_37, %mul3A_36] : memref<2x320000xi32, #tpu.memory_space<hbm>> -> memref<1x128xi32, #tpu.memory_space<hbm>>
        %dma_wait3A_50 = tpu.memref_squeeze %dma_wait3A_49 : memref<1x128xi32, #tpu.memory_space<hbm>> -> memref<128xi32, #tpu.memory_space<hbm>>
        tpu.wait_dma2 semaphore(%run_scoped3A_42 : memref<!tpu.dma_semaphore, #tpu.memory_space<semaphore_mem>>) src(%dma_wait3A_50 : memref<128xi32, #tpu.memory_space<hbm>>) dst(%arg6 : memref<128xi32, #tpu.memory_space<vmem>>)
        tpu.yield
      }) : () -> ()
      %dma_start3A = arith.constant 0 : i32
      %dma_start3A_38 = arith.constant 0 : i32
      %dma_start3A_39 = tpu.memref_slice %arg2[%dma_start3A, %dma_start3A_38] : memref<10240x128xf32, #tpu.memory_space<hbm>> -> memref<10240x128xf32, #tpu.memory_space<hbm>>
      tpu.enqueue_indirect_dma source(%dma_start3A_39 : memref<10240x128xf32, #tpu.memory_space<hbm>>) target(%arg7 : memref<128x128xf32, #tpu.memory_space<vmem>>) offsets(%arg5 : memref<128xi32, #tpu.memory_space<vmem>>) semaphore(%arg9 : memref<!tpu.dma_semaphore, #tpu.memory_space<semaphore_mem>>)
      %dma_wait3A = arith.constant 0 : i32
      %dma_wait3A_40 = arith.constant 0 : i32
      %dma_wait3A_41 = tpu.memref_slice %arg2[%dma_wait3A, %dma_wait3A_40] : memref<10240x128xf32, #tpu.memory_space<hbm>> -> memref<10240x128xf32, #tpu.memory_space<hbm>>
      tpu.wait_indirect_dma semaphore(%arg9 : memref<!tpu.dma_semaphore, #tpu.memory_space<semaphore_mem>>) src(%dma_wait3A_41 : memref<10240x128xf32, #tpu.memory_space<hbm>>) dst(%arg7 : memref<128x128xf32, #tpu.memory_space<vmem>>)
      "tpu.region"() ({
        %run_scoped3A_42 = tpu.sem_alloc : memref<!tpu.dma_semaphore, #tpu.memory_space<semaphore_mem>>
        %dma_start3A_43 = arith.constant 0 : i32
        %dma_start3A_44 = arith.constant 0 : i32
        %dma_start3A_45 = tpu.memref_slice %arg8[%dma_start3A_43, %dma_start3A_44] : memref<10240x128xf32, #tpu.memory_space<vmem_shared>> -> memref<10240x128xf32, #tpu.memory_space<vmem_shared>>
        tpu.enqueue_indirect_dma source(%arg7 : memref<128x128xf32, #tpu.memory_space<vmem>>) target(%dma_start3A_45 : memref<10240x128xf32, #tpu.memory_space<vmem_shared>>) offsets(%arg6 : memref<128xi32, #tpu.memory_space<vmem>>) semaphore(%run_scoped3A_42 : memref<!tpu.dma_semaphore, #tpu.memory_space<semaphore_mem>>) {add = true}
        %dma_wait3A_46 = arith.constant 0 : i32
        %dma_wait3A_47 = arith.constant 0 : i32
        %dma_wait3A_48 = tpu.memref_slice %arg8[%dma_wait3A_46, %dma_wait3A_47] : memref<10240x128xf32, #tpu.memory_space<vmem_shared>> -> memref<10240x128xf32, #tpu.memory_space<vmem_shared>>
        tpu.wait_indirect_dma semaphore(%run_scoped3A_42 : memref<!tpu.dma_semaphore, #tpu.memory_space<semaphore_mem>>) src(%arg7 : memref<128x128xf32, #tpu.memory_space<vmem>>) dst(%dma_wait3A_48 : memref<10240x128xf32, #tpu.memory_space<vmem_shared>>)
        tpu.yield
      }) : () -> ()
    }
    %while3A_29 = arith.constant 1 : i32
    scf.for %while3A_31 = %while3A_27 to %while3A_23 step %while3A_29  : i32 {
      %mul3A_32 = arith.constant 32 : i32
      %mul3A_33 = arith.muli %while3A_31, %mul3A_32 : i32
      %add3A_34 = arith.addi %add3A, %mul3A_33 : i32
      %mul3A_35 = arith.constant 128 : i32
      %mul3A_36 = arith.muli %add3A_34, %mul3A_35 : i32
      %run_scoped3A = arith.constant 0 : i32
      "tpu.region"() ({
        %run_scoped3A_42 = tpu.sem_alloc : memref<!tpu.dma_semaphore, #tpu.memory_space<semaphore_mem>>
        %dma_start3A_43 = tpu.memref_slice %arg3[%run_scoped3A, %mul3A_36] : memref<2x320000xi32, #tpu.memory_space<hbm>> -> memref<1x128xi32, #tpu.memory_space<hbm>>
        %dma_start3A_44 = tpu.memref_squeeze %dma_start3A_43 : memref<1x128xi32, #tpu.memory_space<hbm>> -> memref<128xi32, #tpu.memory_space<hbm>>
        %dma_start3A_45 = tpu.memref_slice %arg3[%run_scoped3A, %mul3A_36] : memref<2x320000xi32, #tpu.memory_space<hbm>> -> memref<1x128xi32, #tpu.memory_space<hbm>>
        %dma_start3A_46 = tpu.memref_squeeze %dma_start3A_45 : memref<1x128xi32, #tpu.memory_space<hbm>> -> memref<128xi32, #tpu.memory_space<hbm>>
        tpu.enqueue_dma source(%dma_start3A_46 : memref<128xi32, #tpu.memory_space<hbm>>) target(%arg5 : memref<128xi32, #tpu.memory_space<vmem>>) target_semaphore(%run_scoped3A_42 : memref<!tpu.dma_semaphore, #tpu.memory_space<semaphore_mem>>)
        %dma_wait3A_47 = tpu.memref_slice %arg3[%run_scoped3A, %mul3A_36] : memref<2x320000xi32, #tpu.memory_space<hbm>> -> memref<1x128xi32, #tpu.memory_space<hbm>>
        %dma_wait3A_48 = tpu.memref_squeeze %dma_wait3A_47 : memref<1x128xi32, #tpu.memory_space<hbm>> -> memref<128xi32, #tpu.memory_space<hbm>>
        %dma_wait3A_49 = tpu.memref_slice %arg3[%run_scoped3A, %mul3A_36] : memref<2x320000xi32, #tpu.memory_space<hbm>> -> memref<1x128xi32, #tpu.memory_space<hbm>>
        %dma_wait3A_50 = tpu.memref_squeeze %dma_wait3A_49 : memref<1x128xi32, #tpu.memory_space<hbm>> -> memref<128xi32, #tpu.memory_space<hbm>>
        tpu.wait_dma2 semaphore(%run_scoped3A_42 : memref<!tpu.dma_semaphore, #tpu.memory_space<semaphore_mem>>) src(%dma_wait3A_50 : memref<128xi32, #tpu.memory_space<hbm>>) dst(%arg5 : memref<128xi32, #tpu.memory_space<vmem>>)
        tpu.yield
      }) : () -> ()
      %run_scoped3A_37 = arith.constant 1 : i32
      "tpu.region"() ({
        %run_scoped3A_42 = tpu.sem_alloc : memref<!tpu.dma_semaphore, #tpu.memory_space<semaphore_mem>>
        %dma_start3A_43 = tpu.memref_slice %arg3[%run_scoped3A_37, %mul3A_36] : memref<2x320000xi32, #tpu.memory_space<hbm>> -> memref<1x128xi32, #tpu.memory_space<hbm>>
        %dma_start3A_44 = tpu.memref_squeeze %dma_start3A_43 : memref<1x128xi32, #tpu.memory_space<hbm>> -> memref<128xi32, #tpu.memory_space<hbm>>
        %dma_start3A_45 = tpu.memref_slice %arg3[%run_scoped3A_37, %mul3A_36] : memref<2x320000xi32, #tpu.memory_space<hbm>> -> memref<1x128xi32, #tpu.memory_space<hbm>>
        %dma_start3A_46 = tpu.memref_squeeze %dma_start3A_45 : memref<1x128xi32, #tpu.memory_space<hbm>> -> memref<128xi32, #tpu.memory_space<hbm>>
        tpu.enqueue_dma source(%dma_start3A_46 : memref<128xi32, #tpu.memory_space<hbm>>) target(%arg6 : memref<128xi32, #tpu.memory_space<vmem>>) target_semaphore(%run_scoped3A_42 : memref<!tpu.dma_semaphore, #tpu.memory_space<semaphore_mem>>)
        %dma_wait3A_47 = tpu.memref_slice %arg3[%run_scoped3A_37, %mul3A_36] : memref<2x320000xi32, #tpu.memory_space<hbm>> -> memref<1x128xi32, #tpu.memory_space<hbm>>
        %dma_wait3A_48 = tpu.memref_squeeze %dma_wait3A_47 : memref<1x128xi32, #tpu.memory_space<hbm>> -> memref<128xi32, #tpu.memory_space<hbm>>
        %dma_wait3A_49 = tpu.memref_slice %arg3[%run_scoped3A_37, %mul3A_36] : memref<2x320000xi32, #tpu.memory_space<hbm>> -> memref<1x128xi32, #tpu.memory_space<hbm>>
        %dma_wait3A_50 = tpu.memref_squeeze %dma_wait3A_49 : memref<1x128xi32, #tpu.memory_space<hbm>> -> memref<128xi32, #tpu.memory_space<hbm>>
        tpu.wait_dma2 semaphore(%run_scoped3A_42 : memref<!tpu.dma_semaphore, #tpu.memory_space<semaphore_mem>>) src(%dma_wait3A_50 : memref<128xi32, #tpu.memory_space<hbm>>) dst(%arg6 : memref<128xi32, #tpu.memory_space<vmem>>)
        tpu.yield
      }) : () -> ()
      %dma_start3A = arith.constant 0 : i32
      %dma_start3A_38 = arith.constant 0 : i32
      %dma_start3A_39 = tpu.memref_slice %arg2[%dma_start3A, %dma_start3A_38] : memref<10240x128xf32, #tpu.memory_space<hbm>> -> memref<10240x128xf32, #tpu.memory_space<hbm>>
      tpu.enqueue_indirect_dma source(%dma_start3A_39 : memref<10240x128xf32, #tpu.memory_space<hbm>>) target(%arg7 : memref<128x128xf32, #tpu.memory_space<vmem>>) offsets(%arg5 : memref<128xi32, #tpu.memory_space<vmem>>) semaphore(%arg9 : memref<!tpu.dma_semaphore, #tpu.memory_space<semaphore_mem>>)
      %dma_wait3A = arith.constant 0 : i32
      %dma_wait3A_40 = arith.constant 0 : i32
      %dma_wait3A_41 = tpu.memref_slice %arg2[%dma_wait3A, %dma_wait3A_40] : memref<10240x128xf32, #tpu.memory_space<hbm>> -> memref<10240x128xf32, #tpu.memory_space<hbm>>
      tpu.wait_indirect_dma semaphore(%arg9 : memref<!tpu.dma_semaphore, #tpu.memory_space<semaphore_mem>>) src(%dma_wait3A_41 : memref<10240x128xf32, #tpu.memory_space<hbm>>) dst(%arg7 : memref<128x128xf32, #tpu.memory_space<vmem>>)
      "tpu.region"() ({
        %run_scoped3A_42 = tpu.sem_alloc : memref<!tpu.dma_semaphore, #tpu.memory_space<semaphore_mem>>
        %dma_start3A_43 = arith.constant 0 : i32
        %dma_start3A_44 = arith.constant 0 : i32
        %dma_start3A_45 = tpu.memref_slice %arg8[%dma_start3A_43, %dma_start3A_44] : memref<10240x128xf32, #tpu.memory_space<vmem_shared>> -> memref<10240x128xf32, #tpu.memory_space<vmem_shared>>
        tpu.enqueue_indirect_dma source(%arg7 : memref<128x128xf32, #tpu.memory_space<vmem>>) target(%dma_start3A_45 : memref<10240x128xf32, #tpu.memory_space<vmem_shared>>) offsets(%arg6 : memref<128xi32, #tpu.memory_space<vmem>>) semaphore(%run_scoped3A_42 : memref<!tpu.dma_semaphore, #tpu.memory_space<semaphore_mem>>) {add = true}
        %dma_wait3A_46 = arith.constant 0 : i32
        %dma_wait3A_47 = arith.constant 0 : i32
        %dma_wait3A_48 = tpu.memref_slice %arg8[%dma_wait3A_46, %dma_wait3A_47] : memref<10240x128xf32, #tpu.memory_space<vmem_shared>> -> memref<10240x128xf32, #tpu.memory_space<vmem_shared>>
        tpu.wait_indirect_dma semaphore(%run_scoped3A_42 : memref<!tpu.dma_semaphore, #tpu.memory_space<semaphore_mem>>) src(%arg7 : memref<128x128xf32, #tpu.memory_space<vmem>>) dst(%dma_wait3A_48 : memref<10240x128xf32, #tpu.memory_space<vmem_shared>>)
        tpu.yield
      }) : () -> ()
    }
    %barrier3A_30 = arith.constant 0 : index
    tpu.barrier barrier_id(%barrier3A_30)
    "tpu.region"() ({
      %run_scoped3A = tpu.sem_alloc : memref<!tpu.dma_semaphore, #tpu.memory_space<semaphore_mem>>
      %dma_start3A = arith.constant 0 : i32
      %dma_start3A_31 = tpu.memref_slice %arg4[%arg0, %mul3A_7, %dma_start3A] : memref<2x10240x128xf32, #tpu.memory_space<hbm>> -> memref<1x640x128xf32, #tpu.memory_space<hbm>>
      %dma_start3A_32 = tpu.memref_squeeze %dma_start3A_31 : memref<1x640x128xf32, #tpu.memory_space<hbm>> -> memref<640x128xf32, #tpu.memory_space<hbm>>
      %dma_start3A_33 = arith.constant 0 : i32
      %dma_start3A_34 = tpu.memref_slice %arg8[%mul3A_7, %dma_start3A_33] : memref<10240x128xf32, #tpu.memory_space<vmem_shared>> -> memref<640x128xf32, #tpu.memory_space<vmem_shared>>
      tpu.enqueue_dma source(%dma_start3A_34 : memref<640x128xf32, #tpu.memory_space<vmem_shared>>) target(%dma_start3A_32 : memref<640x128xf32, #tpu.memory_space<hbm>>) target_semaphore(%run_scoped3A : memref<!tpu.dma_semaphore, #tpu.memory_space<semaphore_mem>>)
      %dma_wait3A = arith.constant 0 : i32
      %dma_wait3A_35 = tpu.memref_slice %arg4[%arg0, %mul3A_7, %dma_wait3A] : memref<2x10240x128xf32, #tpu.memory_space<hbm>> -> memref<1x640x128xf32, #tpu.memory_space<hbm>>
      %dma_wait3A_36 = tpu.memref_squeeze %dma_wait3A_35 : memref<1x640x128xf32, #tpu.memory_space<hbm>> -> memref<640x128xf32, #tpu.memory_space<hbm>>
      %dma_wait3A_37 = arith.constant 0 : i32
      %dma_wait3A_38 = tpu.memref_slice %arg8[%mul3A_7, %dma_wait3A_37] : memref<10240x128xf32, #tpu.memory_space<vmem_shared>> -> memref<640x128xf32, #tpu.memory_space<vmem_shared>>
      tpu.wait_dma2 semaphore(%run_scoped3A : memref<!tpu.dma_semaphore, #tpu.memory_space<semaphore_mem>>) src(%dma_wait3A_38 : memref<640x128xf32, #tpu.memory_space<vmem_shared>>) dst(%dma_wait3A_36 : memref<640x128xf32, #tpu.memory_space<hbm>>)
      tpu.yield
    }) : () -> ()
    return
  }
}

module attributes {stable_mosaic.version = 14 : i64} {
  func.func @_prescale_body(%arg0: i32, %arg1: memref<1280x128xf32, #tpu.memory_space<vmem>>, %arg2: memref<2x2x1280x1xf32, #tpu.memory_space<vmem>>, %arg3: memref<1280x128xf32, #tpu.memory_space<vmem>>) attributes {dimension_semantics = [#tpu.dimension_semantics<arbitrary>], iteration_bounds = array<i64: 8>, scalar_prefetch = 0 : i64, scratch_operands = 0 : i64, tpu.core_type = #tpu.core_type<tc>, window_params = [{transform_indices = @transform_0, window_bounds = array<i64: 1280, 128>}, {transform_indices = @transform_1, window_bounds = array<i64: 2, 2, 1280, 1>}, {transform_indices = @transform_2, window_bounds = array<i64: 1280, 128>}]} {
    %get3A = arith.constant 0 : index
    %get3A_0 = arith.constant 0 : index
    %get3A_1 = arith.constant 0 : index
    %get3A_2 = arith.constant 0 : index
    %get3A_3 = vector.load %arg2[%get3A, %get3A_0, %get3A_1, %get3A_2] : memref<2x2x1280x1xf32, #tpu.memory_space<vmem>>, vector<1x1x1280x1xf32>
    %get3A_4 = vector.shape_cast %get3A_3 : vector<1x1x1280x1xf32> to vector<1280x1xf32>
    %get3A_5 = arith.constant 1 : index
    %get3A_6 = arith.constant 0 : index
    %get3A_7 = arith.constant 0 : index
    %get3A_8 = arith.constant 0 : index
    %get3A_9 = vector.load %arg2[%get3A_5, %get3A_6, %get3A_7, %get3A_8] : memref<2x2x1280x1xf32, #tpu.memory_space<vmem>>, vector<1x1x1280x1xf32>
    %get3A_10 = vector.shape_cast %get3A_9 : vector<1x1x1280x1xf32> to vector<1280x1xf32>
    %add3A = arith.addf %get3A_4, %get3A_10 : vector<1280x1xf32>
    %add3A_11 = arith.constant 1.000000e+00 : f32
    %add3A_12 = vector.broadcast %add3A_11 : f32 to vector<1280x1xf32>
    %add3A_13 = arith.addf %add3A, %add3A_12 : vector<1280x1xf32>
    %rsqrt3A = math.rsqrt %add3A_13 : vector<1280x1xf32>
    %get3A_14 = arith.constant 0 : index
    %get3A_15 = arith.constant 0 : index
    %get3A_16 = vector.load %arg1[%get3A_14, %get3A_15] : memref<1280x128xf32, #tpu.memory_space<vmem>>, vector<1280x128xf32>
    %mul3A = vector.broadcast %rsqrt3A : vector<1280x1xf32> to vector<1280x128xf32>
    %mul3A_17 = arith.mulf %get3A_16, %mul3A : vector<1280x128xf32>
    %swap3A = arith.constant 0 : index
    %swap3A_18 = arith.constant 0 : index
    %swap3A_19 = vector.load %arg3[%swap3A, %swap3A_18] : memref<1280x128xf32, #tpu.memory_space<vmem>>, vector<1280x128xf32>
    tpu.vector_store %arg3[%swap3A, %swap3A_18], %mul3A_17 {strides = array<i32>} : memref<1280x128xf32, #tpu.memory_space<vmem>>, vector<1280x128xf32>,
    return
  }
  func.func @transform_0(%arg0: i32) -> (i32, i32) {
    %c0_i32 = arith.constant 0 : i32
    %c0_i32_0 = arith.constant 0 : i32
    return %arg0, %c0_i32 : i32, i32
  }
  func.func @transform_1(%arg0: i32) -> (i32, i32, i32, i32) {
    %c0_i32 = arith.constant 0 : i32
    %c0_i32_0 = arith.constant 0 : i32
    %c0_i32_1 = arith.constant 0 : i32
    %c0_i32_2 = arith.constant 0 : i32
    return %c0_i32, %c0_i32_0, %arg0, %c0_i32_1 : i32, i32, i32, i32
  }
  func.func @transform_2(%arg0: i32) -> (i32, i32) {
    %c0_i32 = arith.constant 0 : i32
    %c0_i32_0 = arith.constant 0 : i32
    return %arg0, %c0_i32 : i32, i32
  }
}

module attributes {stable_mosaic.version = 14 : i64} {
  func.func @_layer1_body(%arg0: i32, %arg1: memref<2x1280x128xf32, #tpu.memory_space<vmem>>, %arg2: memref<1280x128xf32, #tpu.memory_space<vmem>>, %arg3: memref<2x2x1280x1xf32, #tpu.memory_space<vmem>>, %arg4: memref<128x128xf32, #tpu.memory_space<vmem>>, %arg5: memref<1x128xf32, #tpu.memory_space<vmem>>, %arg6: memref<1280x128xf32, #tpu.memory_space<vmem>>) attributes {dimension_semantics = [#tpu.dimension_semantics<arbitrary>], iteration_bounds = array<i64: 8>, scalar_prefetch = 0 : i64, scratch_operands = 0 : i64, tpu.core_type = #tpu.core_type<tc>, window_params = [{transform_indices = @transform_0, window_bounds = array<i64: 2, 1280, 128>}, {transform_indices = @transform_1, window_bounds = array<i64: 1280, 128>}, {transform_indices = @transform_2, window_bounds = array<i64: 2, 2, 1280, 1>}, {pipeline_mode = #tpu.pipeline_mode<synchronous>, transform_indices = @transform_3, window_bounds = array<i64: 128, 128>}, {pipeline_mode = #tpu.pipeline_mode<synchronous>, transform_indices = @transform_4, window_bounds = array<i64: 1, 128>}, {transform_indices = @transform_5, window_bounds = array<i64: 1280, 128>}]} {
    %get3A = arith.constant 0 : index
    %get3A_0 = arith.constant 0 : index
    %get3A_1 = arith.constant 0 : index
    %get3A_2 = arith.constant 0 : index
    %get3A_3 = vector.load %arg3[%get3A, %get3A_0, %get3A_1, %get3A_2] : memref<2x2x1280x1xf32, #tpu.memory_space<vmem>>, vector<1x1x1280x1xf32>
    %get3A_4 = vector.shape_cast %get3A_3 : vector<1x1x1280x1xf32> to vector<1280x1xf32>
    %get3A_5 = arith.constant 1 : index
    %get3A_6 = arith.constant 0 : index
    %get3A_7 = arith.constant 0 : index
    %get3A_8 = arith.constant 0 : index
    %get3A_9 = vector.load %arg3[%get3A_5, %get3A_6, %get3A_7, %get3A_8] : memref<2x2x1280x1xf32, #tpu.memory_space<vmem>>, vector<1x1x1280x1xf32>
    %get3A_10 = vector.shape_cast %get3A_9 : vector<1x1x1280x1xf32> to vector<1280x1xf32>
    %add3A = arith.addf %get3A_4, %get3A_10 : vector<1280x1xf32>
    %add3A_11 = arith.constant 1.000000e+00 : f32
    %add3A_12 = vector.broadcast %add3A_11 : f32 to vector<1280x1xf32>
    %add3A_13 = arith.addf %add3A, %add3A_12 : vector<1280x1xf32>
    %rsqrt3A = math.rsqrt %add3A_13 : vector<1280x1xf32>
    %get3A_14 = arith.constant 0 : index
    %get3A_15 = arith.constant 1 : index
    %get3A_16 = arith.constant 0 : index
    %get3A_17 = arith.constant 0 : index
    %get3A_18 = vector.load %arg3[%get3A_14, %get3A_15, %get3A_16, %get3A_17] : memref<2x2x1280x1xf32, #tpu.memory_space<vmem>>, vector<1x1x1280x1xf32>
    %get3A_19 = vector.shape_cast %get3A_18 : vector<1x1x1280x1xf32> to vector<1280x1xf32>
    %get3A_20 = arith.constant 1 : index
    %get3A_21 = arith.constant 1 : index
    %get3A_22 = arith.constant 0 : index
    %get3A_23 = arith.constant 0 : index
    %get3A_24 = vector.load %arg3[%get3A_20, %get3A_21, %get3A_22, %get3A_23] : memref<2x2x1280x1xf32, #tpu.memory_space<vmem>>, vector<1x1x1280x1xf32>
    %get3A_25 = vector.shape_cast %get3A_24 : vector<1x1x1280x1xf32> to vector<1280x1xf32>
    %add3A_26 = arith.addf %get3A_19, %get3A_25 : vector<1280x1xf32>
    %add3A_27 = arith.constant 1.000000e+00 : f32
    %add3A_28 = vector.broadcast %add3A_27 : f32 to vector<1280x1xf32>
    %add3A_29 = arith.addf %add3A_26, %add3A_28 : vector<1280x1xf32>
    %rsqrt3A_30 = math.rsqrt %add3A_29 : vector<1280x1xf32>
    %get3A_31 = arith.constant 0 : index
    %get3A_32 = arith.constant 0 : index
    %get3A_33 = arith.constant 0 : index
    %get3A_34 = vector.load %arg1[%get3A_31, %get3A_32, %get3A_33] : memref<2x1280x128xf32, #tpu.memory_space<vmem>>, vector<1x1280x128xf32>
    %get3A_35 = vector.shape_cast %get3A_34 : vector<1x1280x128xf32> to vector<1280x128xf32>
    %get3A_36 = arith.constant 1 : index
    %get3A_37 = arith.constant 0 : index
    %get3A_38 = arith.constant 0 : index
    %get3A_39 = vector.load %arg1[%get3A_36, %get3A_37, %get3A_38] : memref<2x1280x128xf32, #tpu.memory_space<vmem>>, vector<1x1280x128xf32>
    %get3A_40 = vector.shape_cast %get3A_39 : vector<1x1280x128xf32> to vector<1280x128xf32>
    %add3A_41 = arith.addf %get3A_35, %get3A_40 : vector<1280x128xf32>
    %get3A_42 = arith.constant 0 : index
    %get3A_43 = arith.constant 0 : index
    %get3A_44 = vector.load %arg2[%get3A_42, %get3A_43] : memref<1280x128xf32, #tpu.memory_space<vmem>>, vector<1280x128xf32>
    %add3A_45 = arith.addf %add3A_41, %get3A_44 : vector<1280x128xf32>
    %mul3A = vector.broadcast %rsqrt3A_30 : vector<1280x1xf32> to vector<1280x128xf32>
    %mul3A_46 = arith.mulf %add3A_45, %mul3A : vector<1280x128xf32>
    %get3A_47 = arith.constant 0 : index
    %get3A_48 = arith.constant 0 : index
    %get3A_49 = vector.load %arg4[%get3A_47, %get3A_48] : memref<128x128xf32, #tpu.memory_space<vmem>>, vector<128x128xf32>
    %dot_general3A = arith.constant dense<0.000000e+00> : vector<1280x128xf32>
    %dot_general3A_50 = tpu.matmul %mul3A_46, %get3A_49, %dot_general3A {dimension_numbers = #tpu.dot_dimension_numbers<[1], [0], [0], [1], [0, 0, 1, 1], [], []>, precision = #tpu.contract_precision<fp32>, transpose_lhs_hint = false} : vector<1280x128xf32>, vector<128x128xf32>, vector<1280x128xf32> -> vector<1280x128xf32>
    %get3A_51 = arith.constant 0 : index
    %get3A_52 = arith.constant 0 : index
    %get3A_53 = vector.load %arg5[%get3A_51, %get3A_52] : memref<1x128xf32, #tpu.memory_space<vmem>>, vector<1x128xf32>
    %add3A_54 = vector.broadcast %get3A_53 : vector<1x128xf32> to vector<1280x128xf32>
    %add3A_55 = arith.addf %dot_general3A_50, %add3A_54 : vector<1280x128xf32>
    %max3A = arith.constant 0.000000e+00 : f32
    %max3A_56 = vector.broadcast %max3A : f32 to vector<1280x128xf32>
    %max3A_57 = arith.maximumf %add3A_55, %max3A_56 : vector<1280x128xf32>
    %mul3A_58 = vector.broadcast %rsqrt3A : vector<1280x1xf32> to vector<1280x128xf32>
    %mul3A_59 = arith.mulf %max3A_57, %mul3A_58 : vector<1280x128xf32>
    %swap3A = arith.constant 0 : index
    %swap3A_60 = arith.constant 0 : index
    %swap3A_61 = vector.load %arg6[%swap3A, %swap3A_60] : memref<1280x128xf32, #tpu.memory_space<vmem>>, vector<1280x128xf32>
    tpu.vector_store %arg6[%swap3A, %swap3A_60], %mul3A_59 {strides = array<i32>} : memref<1280x128xf32, #tpu.memory_space<vmem>>, vector<1280x128xf32>,
    return
  }
  func.func @transform_0(%arg0: i32) -> (i32, i32, i32) {
    %c0_i32 = arith.constant 0 : i32
    %c0_i32_0 = arith.constant 0 : i32
    %c0_i32_1 = arith.constant 0 : i32
    return %c0_i32, %arg0, %c0_i32_0 : i32, i32, i32
  }
  func.func @transform_1(%arg0: i32) -> (i32, i32) {
    %c0_i32 = arith.constant 0 : i32
    %c0_i32_0 = arith.constant 0 : i32
    return %arg0, %c0_i32 : i32, i32
  }
  func.func @transform_2(%arg0: i32) -> (i32, i32, i32, i32) {
    %c0_i32 = arith.constant 0 : i32
    %c0_i32_0 = arith.constant 0 : i32
    %c0_i32_1 = arith.constant 0 : i32
    %c0_i32_2 = arith.constant 0 : i32
    return %c0_i32, %c0_i32_0, %arg0, %c0_i32_1 : i32, i32, i32, i32
  }
  func.func @transform_3(%arg0: i32) -> (i32, i32) {
    %c0_i32 = arith.constant 0 : i32
    %c0_i32_0 = arith.constant 0 : i32
    %c0_i32_1 = arith.constant 0 : i32
    return %c0_i32, %c0_i32_0 : i32, i32
  }
  func.func @transform_4(%arg0: i32) -> (i32, i32) {
    %c0_i32 = arith.constant 0 : i32
    %c0_i32_0 = arith.constant 0 : i32
    %c0_i32_1 = arith.constant 0 : i32
    return %c0_i32, %c0_i32_0 : i32, i32
  }
  func.func @transform_5(%arg0: i32) -> (i32, i32) {
    %c0_i32 = arith.constant 0 : i32
    %c0_i32_0 = arith.constant 0 : i32
    return %arg0, %c0_i32 : i32, i32
  }
}

module attributes {stable_mosaic.version = 14 : i64} {
  func.func @_layer2_body(%arg0: i32, %arg1: memref<2x1280x128xf32, #tpu.memory_space<vmem>>, %arg2: memref<1280x128xf32, #tpu.memory_space<vmem>>, %arg3: memref<2x2x1280x1xf32, #tpu.memory_space<vmem>>, %arg4: memref<128x128xf32, #tpu.memory_space<vmem>>, %arg5: memref<1x128xf32, #tpu.memory_space<vmem>>, %arg6: memref<1280x128xf32, #tpu.memory_space<vmem>>) attributes {dimension_semantics = [#tpu.dimension_semantics<arbitrary>], iteration_bounds = array<i64: 8>, scalar_prefetch = 0 : i64, scratch_operands = 0 : i64, tpu.core_type = #tpu.core_type<tc>, window_params = [{transform_indices = @transform_0, window_bounds = array<i64: 2, 1280, 128>}, {transform_indices = @transform_1, window_bounds = array<i64: 1280, 128>}, {transform_indices = @transform_2, window_bounds = array<i64: 2, 2, 1280, 1>}, {pipeline_mode = #tpu.pipeline_mode<synchronous>, transform_indices = @transform_3, window_bounds = array<i64: 128, 128>}, {pipeline_mode = #tpu.pipeline_mode<synchronous>, transform_indices = @transform_4, window_bounds = array<i64: 1, 128>}, {transform_indices = @transform_5, window_bounds = array<i64: 1280, 128>}]} {
    %get3A = arith.constant 0 : index
    %get3A_0 = arith.constant 1 : index
    %get3A_1 = arith.constant 0 : index
    %get3A_2 = arith.constant 0 : index
    %get3A_3 = vector.load %arg3[%get3A, %get3A_0, %get3A_1, %get3A_2] : memref<2x2x1280x1xf32, #tpu.memory_space<vmem>>, vector<1x1x1280x1xf32>
    %get3A_4 = vector.shape_cast %get3A_3 : vector<1x1x1280x1xf32> to vector<1280x1xf32>
    %get3A_5 = arith.constant 1 : index
    %get3A_6 = arith.constant 1 : index
    %get3A_7 = arith.constant 0 : index
    %get3A_8 = arith.constant 0 : index
    %get3A_9 = vector.load %arg3[%get3A_5, %get3A_6, %get3A_7, %get3A_8] : memref<2x2x1280x1xf32, #tpu.memory_space<vmem>>, vector<1x1x1280x1xf32>
    %get3A_10 = vector.shape_cast %get3A_9 : vector<1x1x1280x1xf32> to vector<1280x1xf32>
    %add3A = arith.addf %get3A_4, %get3A_10 : vector<1280x1xf32>
    %add3A_11 = arith.constant 1.000000e+00 : f32
    %add3A_12 = vector.broadcast %add3A_11 : f32 to vector<1280x1xf32>
    %add3A_13 = arith.addf %add3A, %add3A_12 : vector<1280x1xf32>
    %rsqrt3A = math.rsqrt %add3A_13 : vector<1280x1xf32>
    %get3A_14 = arith.constant 0 : index
    %get3A_15 = arith.constant 0 : index
    %get3A_16 = arith.constant 0 : index
    %get3A_17 = vector.load %arg1[%get3A_14, %get3A_15, %get3A_16] : memref<2x1280x128xf32, #tpu.memory_space<vmem>>, vector<1x1280x128xf32>
    %get3A_18 = vector.shape_cast %get3A_17 : vector<1x1280x128xf32> to vector<1280x128xf32>
    %get3A_19 = arith.constant 1 : index
    %get3A_20 = arith.constant 0 : index
    %get3A_21 = arith.constant 0 : index
    %get3A_22 = vector.load %arg1[%get3A_19, %get3A_20, %get3A_21] : memref<2x1280x128xf32, #tpu.memory_space<vmem>>, vector<1x1280x128xf32>
    %get3A_23 = vector.shape_cast %get3A_22 : vector<1x1280x128xf32> to vector<1280x128xf32>
    %add3A_24 = arith.addf %get3A_18, %get3A_23 : vector<1280x128xf32>
    %get3A_25 = arith.constant 0 : index
    %get3A_26 = arith.constant 0 : index
    %get3A_27 = vector.load %arg2[%get3A_25, %get3A_26] : memref<1280x128xf32, #tpu.memory_space<vmem>>, vector<1280x128xf32>
    %add3A_28 = arith.addf %add3A_24, %get3A_27 : vector<1280x128xf32>
    %mul3A = vector.broadcast %rsqrt3A : vector<1280x1xf32> to vector<1280x128xf32>
    %mul3A_29 = arith.mulf %add3A_28, %mul3A : vector<1280x128xf32>
    %get3A_30 = arith.constant 0 : index
    %get3A_31 = arith.constant 0 : index
    %get3A_32 = vector.load %arg4[%get3A_30, %get3A_31] : memref<128x128xf32, #tpu.memory_space<vmem>>, vector<128x128xf32>
    %dot_general3A = arith.constant dense<0.000000e+00> : vector<1280x128xf32>
    %dot_general3A_33 = tpu.matmul %mul3A_29, %get3A_32, %dot_general3A {dimension_numbers = #tpu.dot_dimension_numbers<[1], [0], [0], [1], [0, 0, 1, 1], [], []>, precision = #tpu.contract_precision<fp32>, transpose_lhs_hint = false} : vector<1280x128xf32>, vector<128x128xf32>, vector<1280x128xf32> -> vector<1280x128xf32>
    %get3A_34 = arith.constant 0 : index
    %get3A_35 = arith.constant 0 : index
    %get3A_36 = vector.load %arg5[%get3A_34, %get3A_35] : memref<1x128xf32, #tpu.memory_space<vmem>>, vector<1x128xf32>
    %add3A_37 = vector.broadcast %get3A_36 : vector<1x128xf32> to vector<1280x128xf32>
    %add3A_38 = arith.addf %dot_general3A_33, %add3A_37 : vector<1280x128xf32>
    %swap3A = arith.constant 0 : index
    %swap3A_39 = arith.constant 0 : index
    %swap3A_40 = vector.load %arg6[%swap3A, %swap3A_39] : memref<1280x128xf32, #tpu.memory_space<vmem>>, vector<1280x128xf32>
    tpu.vector_store %arg6[%swap3A, %swap3A_39], %add3A_38 {strides = array<i32>} : memref<1280x128xf32, #tpu.memory_space<vmem>>, vector<1280x128xf32>,
    return
  }
  func.func @transform_0(%arg0: i32) -> (i32, i32, i32) {
    %c0_i32 = arith.constant 0 : i32
    %c0_i32_0 = arith.constant 0 : i32
    %c0_i32_1 = arith.constant 0 : i32
    return %c0_i32, %arg0, %c0_i32_0 : i32, i32, i32
  }
  func.func @transform_1(%arg0: i32) -> (i32, i32) {
    %c0_i32 = arith.constant 0 : i32
    %c0_i32_0 = arith.constant 0 : i32
    return %arg0, %c0_i32 : i32, i32
  }
  func.func @transform_2(%arg0: i32) -> (i32, i32, i32, i32) {
    %c0_i32 = arith.constant 0 : i32
    %c0_i32_0 = arith.constant 0 : i32
    %c0_i32_1 = arith.constant 0 : i32
    %c0_i32_2 = arith.constant 0 : i32
    return %c0_i32, %c0_i32_0, %arg0, %c0_i32_1 : i32, i32, i32, i32
  }
  func.func @transform_3(%arg0: i32) -> (i32, i32) {
    %c0_i32 = arith.constant 0 : i32
    %c0_i32_0 = arith.constant 0 : i32
    %c0_i32_1 = arith.constant 0 : i32
    return %c0_i32, %c0_i32_0 : i32, i32
  }
  func.func @transform_4(%arg0: i32) -> (i32, i32) {
    %c0_i32 = arith.constant 0 : i32
    %c0_i32_0 = arith.constant 0 : i32
    %c0_i32_1 = arith.constant 0 : i32
    return %c0_i32, %c0_i32_0 : i32, i32
  }
  func.func @transform_5(%arg0: i32) -> (i32, i32) {
    %c0_i32 = arith.constant 0 : i32
    %c0_i32_0 = arith.constant 0 : i32
    return %arg0, %c0_i32 : i32, i32
  }
}

</mosaic_0001>

<sc_bundles>
// kernel: kernel.11.cloned.1.call-start
scs
__scs_entry_jumppad:
0x0: {  	(pc) =	sbr.rel $0x88, $3  }
0x1: {  	(tag) =	ssettag $0x0;
	lr =	simm.s32 $0x1  }
0x2: {  	[smem:$0x3F9B] =	sst lr;
	_ =	strace $0xD0000000  }
0x3: {  	_ = 	snop  }
0x4: {  	_ = 	snop  }
0x5: {  	_ = 	snop  }
0x6: {  	_ = 	snop  }
0x7: {  	_ = 	snop  }
__scs_overlays_trampoline_lowered:
0x8: {  	[smem:$0x3FAA] =	sst s0  }
0x9: {  	[smem:$0x3FAB] =	sst s1  }
0xa: {  	[smem:$0x3FAC] =	sst s2  }
0xb: {  	[smem:$0x3FAD] =	sst s3  }
0xc: {  	[smem:$0x3FAE] =	sst s4  }
0xd: {  	[smem:$0x3FAF] =	sst s5  }
0xe: {  	[smem:$0x3FB0] =	sst s6  }
0xf: {  	[smem:$0x3FB1] =	sst s7  }
0x10: {  	[smem:$0x3FB2] =	sst s8  }
0x11: {  	[smem:$0x3FB3] =	sst s9;
	s0 =	simm.s32 @!p0 $0x0  }
0x12: {  	s1 =	sld [smem:$0x3F99];
	s0 =	simm.s32 @p0 $0x1  }
0x13: {  	[smem:$0x3FB4] =	sst s0;
	s0 =	simm.s32 @!p1 $0x0  }
0x14: {  	s2 =	sld [smem:$0x3F98];
	s0 =	simm.s32 @p1 $0x1  }
0x15: {  	[smem:$0x3FB5] =	sst s0;
	s0 =	simm.s32 @!p2 $0x0  }
0x16: {  	s3 =	sld [smem:$0x3FDB];
	s0 =	simm.s32 @p2 $0x1  }
0x17: {  	s4 =	simm.s32 $0x1BF5;
	[smem:$0x3FB7] =	sst s0  }
0x18: {  	s0 =	sld [smem:$0x3F9A];
	_ =	swait.ge [sflag:s4], $0x0  }
0x19: {  	s7 =	sld [smem:$0x3F9B]  }
0x1a: {  	s8 =	sadd.s32 $0xFFFFE003, lr  }
0x1b: {  	s9 =	sadd.s32 $0xFFFFFEF7, lr;
	s5 =	simm.s32 $0xFFFFFFFF;
	p2 =	slt.u32 s8, $0xFFFFF086  }
0x1c: {  	p1 =	slt.u32 s9, $0xF7A;
	s5 =	simm.s32 @!p2 $0x0  }
0x1d: {  	s5 =	simm.s32 @p1 $0x1;
	p0 =	seq.s32 s7, s2  }
0x1e: {  	s7 =	smul.u32 @!p0 $0xF7A, s2;
	p2 =	seq.s32 @!p0 s5, $0x0  }
0x1f: {  	s9 =	smul.u32 $0xF7A, s1;
	s8 =	simm.s32 @!p0 $0x1BF5;
	p2 =	por !p2, p0  }
0x20: {  	[sflag:s8] =	ssyncset.s32 @!p0 $0xFFFFF086;
	s6 =	sadd.s32 @!p0 s3, s7;
	s7 =	simm.s32 @!p0 $0x108  }
0x21: {  	s3 =	sadd.s32 s3, s9;
	s6 =	sadd.s32 @!p0 $0x88, s6;
	s7 =	simm.s32 @p2 $0x1082  }
0x22: {  	[simem:s7], [sflag:s8] =	dma.local @!p0 [hbm:s6], $0xF7A  }
0x23: {  	s9 =	sor.u32 $0xD0000000, s2;
	s6 =	simm.s32 $0x108;
	_ =	swait.ge @!p0 [sflag:s8], $0x0  }
0x24: {  	s3 =	sadd.s32 $0x88, s3;
	s6 =	simm.s32 @!p1 $0x1082;
	[sflag:s4] =	ssyncset.s32 $0xFFFFF086  }
0x25: {  	[simem:s6], [sflag:s4] =	dma.local [hbm:s3], $0xF7A  }
0x26: {  	[smem:$0x3F9B] =	sst s1;
	(tag) =	ssettag s2;
	_ =	strace s9  }
0x27: {  	s1 =	sld [smem:$0x3FAB]  }
0x28: {  	s2 =	sld [smem:$0x3FAC]  }
0x29: {  	s4 =	sld [smem:$0x3FAE]  }
0x2a: {  	p0 =	seq.s32 s5, $0x0;
	s5 =	sld [smem:$0x3FAF]  }
0x2b: {  	s6 =	sld [smem:$0x3FB0]  }
0x2c: {  	s7 =	sld [smem:$0x3FB1]  }
0x2d: {  	s3 =	simm.s32 $0x108;
	s8 =	sld [smem:$0x3FB2]  }
0x2e: {  	s3 =	simm.s32 @!p0 $0x1082;
	s9 =	sld [smem:$0x3FB3]  }
0x2f: {  	lr =	sadd.s32 s0, s3;
	s0 =	sld [smem:$0x3FAA]  }
0x30: {  	s3 =	sld [smem:$0x3FAD]  }
0x31: {  	[smem:$0x3FB6] =	sst s10  }
0x32: {  	s10 =	sld [smem:$0x3FB4];
	_ =	sdelay $0x3  }
0x33: {  	p0 =	seq.s32 s10, $0x1;
	s10 =	sld [smem:$0x3FB6];
	_ =	sdelay $0x3  }
0x34: {  	[smem:$0x3FB6] =	sst s10  }
0x35: {  	s10 =	sld [smem:$0x3FB5];
	_ =	sdelay $0x3  }
0x36: {  	p1 =	seq.s32 s10, $0x1;
	s10 =	sld [smem:$0x3FB6];
	_ =	sdelay $0x3  }
0x37: {  	[smem:$0x3FB6] =	sst s10  }
0x38: {  	s10 =	sld [smem:$0x3FB7]  }
0x39: {  	_ = 	snop;
	(pc) =	sbr.ind lr, $3  }
0x3a: {  	_ = 	snop  }
0x3b: {  	_ = 	snop  }
0x3c: {  	p2 =	seq.s32 s10, $0x1;
	s10 =	sld [smem:$0x3FB6]  }
0x3d: {  	_ =	shalt  }
0x3e: {  	_ =	shalt  }
0x3f: {  	_ =	shalt  }
0x40: {  	_ =	shalt  }
0x41: {  	_ =	shalt  }
0x42: {  	_ =	shalt  }
0x43: {  	_ =	shalt  }
0x44: {  	_ =	shalt  }
0x45: {  	_ =	shalt  }
0x46: {  	_ =	shalt  }
0x47: {  	_ =	shalt  }
0x48: {  	_ =	shalt  }
0x49: {  	_ =	shalt  }
0x4a: {  	_ =	shalt  }
0x4b: {  	_ =	shalt  }
0x4c: {  	_ =	shalt  }
0x4d: {  	_ =	shalt  }
0x4e: {  	_ =	shalt  }
0x4f: {  	_ =	shalt  }
0x50: {  	_ =	shalt  }
0x51: {  	_ =	shalt  }
0x52: {  	_ =	shalt  }
0x53: {  	_ =	shalt  }
0x54: {  	_ =	shalt  }
0x55: {  	_ =	shalt  }
0x56: {  	_ =	shalt  }
0x57: {  	_ =	shalt  }
0x58: {  	_ =	shalt  }
0x59: {  	_ =	shalt  }
0x5a: {  	_ =	shalt  }
0x5b: {  	_ =	shalt  }
0x5c: {  	_ =	shalt  }
0x5d: {  	_ =	shalt  }
0x5e: {  	_ =	shalt  }
0x5f: {  	_ =	shalt  }
0x60: {  	_ =	shalt  }
0x61: {  	_ =	shalt  }
0x62: {  	_ =	shalt  }
0x63: {  	_ =	shalt  }
0x64: {  	_ =	shalt  }
0x65: {  	_ =	shalt  }
0x66: {  	_ =	shalt  }
0x67: {  	_ =	shalt  }
0x68: {  	_ =	shalt  }
0x69: {  	_ =	shalt  }
0x6a: {  	_ =	shalt  }
0x6b: {  	_ =	shalt  }
0x6c: {  	_ =	shalt  }
0x6d: {  	_ =	shalt  }
0x6e: {  	_ =	shalt  }
0x6f: {  	_ =	shalt  }
0x70: {  	_ =	shalt  }
0x71: {  	_ =	shalt  }
0x72: {  	_ =	shalt  }
0x73: {  	_ =	shalt  }
0x74: {  	_ =	shalt  }
0x75: {  	_ =	shalt  }
0x76: {  	_ =	shalt  }
0x77: {  	_ =	shalt  }
0x78: {  	_ =	shalt  }
0x79: {  	_ =	shalt  }
0x7a: {  	_ =	shalt  }
0x7b: {  	_ =	shalt  }
0x7c: {  	_ =	shalt  }
0x7d: {  	_ =	shalt  }
0x7e: {  	_ =	shalt  }
0x7f: {  	_ =	shalt  }
0x80: {  	_ =	shalt  }
0x81: {  	_ =	shalt  }
0x82: {  	_ =	shalt  }
0x83: {  	_ =	shalt  }
0x84: {  	_ =	shalt  }
0x85: {  	_ =	shalt  }
0x86: {  	_ =	shalt  }
0x87: {  	_ =	shalt  }
.Lfunc_end0:
.L_simem_size_0:
called_computation.1_lowered:
.L_overlay_start_0:
0x88: {  	s2 =	sld [smem:$0x3FD9]  }
0x89: {  	s3 =	sld [smem:$0x3FFE];
	_ =	sdelay $0x1  }
0x8a: {  	s1 =	srdreg.scid  }
0x8b: {  	s0 =	sand.u32 $0x1, s1  }
0x8c: {  	s17 =	sshll.u32 s0, $0xA;
	s2 =	sadd.s32 s3, s2  }
0x8d: {  	s2 =	sadd.s32 s2, s17  }
0x8e: {  	[smem:$0x3FC2] =	sst s2  }
0x8f: {  	_ = 	snop  }
0x90: {  	s2 =	sld [smem:$0x3FC8];
	(tm) =	ssettm $0x1  }
0x91: {  	s18 =	sld [smem:$0x3FFB];
	_ =	sdelay $0x3  }
0x92: {  	_ =	strace s18  }
0x93: {  	s3 =	sld [smem:$0x3FFC];
	_ =	sdelay $0x3  }
0x94: {  	_ =	strace s3  }
0x95: {  	s3 =	sld [smem:$0x3FFD];
	_ =	sdelay $0x3  }
0x96: {  	_ =	strace s3  }
0x97: {  	_ =	strace $0x8FFFFFFF  }
0x98: {  	s19 =	sld [smem:$0x3FDB];
	_ =	sdelay $0x1  }
0x99: {  	s4 =	simm.s32 $_scs_section_size  }
0x9a: {  	s5 =	simm.s32 $_size__tile_overlayer_lowered;
	s6 =	simm.s32 $_tile_overlayer_lowered  }
0x9b: {  	s22 =	simm.s32 $0x1BFF;
	s21 =	sshll.u32 s6, $0x1;
	s3 =	sadd.s32 s4, s19  }
0x9c: {  	s7 =	simm.s32 $0x0;
	s20 =	sshll.u32 s5, $0x1;
	s5 =	sadd.s32 s21, s3  }
0x9d: {  	[timem:s7], [sflag:s22] =	dma.local [hbm:s5], s20  }
0x9e: {  	_ =	swait.ge [sflag:s22], s20  }
0x9f: {  	s4 =	ssub.s32 $0x0, s20;
	[sflag:s22] =	ssyncset.done $0x0  }
0xa0: {  	[sflag:s22] =	ssyncadd.s32 s4;
	_ =	sdelay $0x1  }
0xa1: {  	s23 =	simm.s32 $0x1B8B  }
0xa2: {  	_ =	swait.ge [sflag:s23], $0x1  }
0xa3: {  	[sflag:s23] =	ssyncset.done $0x0  }
0xa4: {  	s25 =	simm.s32 $0x1B8E;
	s24 =	sld [smem:$0x3FFE];
	[sflag:s23] =	ssyncadd.s32 $0xFFFFFFFF  }
0xa5: {  	s26 =	simm.s32 $execute0_lowered;
	[smem:$0x3FD2] =	sst s25  }
0xa6: {  	s5 =	sshll.u32 s26, $0x1;
	_ =	strace $0x80000049;
	[dreg:$0x1] =	wrdreg $0xFFFFFFFF  }
0xa7: {  	s28 =	simm.s32 $_size_execute0_lowered;
	s3 =	sadd.s32 s3, s5;
	[dreg:$0x0] =	wrdreg $0x0  }
0xa8: {  	s5 =	sshll.u32 s28, $0x1;
	[dreg:$0x2] =	wrdreg s3  }
0xa9: {  	[dreg:$0x3] =	wrdreg s5  }
0xaa: {  	[dreg:$0x4] =	wrdreg $0xC0  }
0xab: {  	_ =	task [dreg:s7], $0x5FFFF  }
0xac: {  	[dreg:$0x1] =	wrdreg $0xFFFFFFFF  }
0xad: {  	[dreg:$0x0] =	wrdreg $0x60  }
0xae: {  	[dreg:$0x2] =	wrdreg s24  }
0xaf: {  	[dreg:$0x3] =	wrdreg s2  }
0xb0: {  	[dreg:$0x4] =	wrdreg $0x41000  }
0xb1: {  	[dreg:$0x5] =	wrdreg $0x9  }
0xb2: {  	_ =	task.clear_ibuf [dreg:s7], $0x6FFFF;
	_ =	strace $0x90000049  }
0xb3: {  	s29 =	simm.s32 $0x9;
	_ =	strace $0x8000004B  }
0xb4: {  	_ =	swait.ge [sflag:s29], $0x1  }
0xb5: {  	[sflag:s29] =	ssyncadd.s32 $0xFFFFFFFF  }
0xb6: {  	_ =	strace $0x9000004B  }
0xb7: {  	_ =	sfence  }
0xb8: {  	s30 =	sld [smem:$0x0];
	_ =	sdelay $0x2  }
0xb9: {  	s31 =	sshll.u32 s1, $0xD;
	s1 =	sshrl.u32 s1, $0x2  }
0xba: {  	s3 =	sand.u32 $0x4000, s31;
	s1 =	sadd.s32 s1, s30  }
0xbb: {  	s0 =	sor.u32 s3, s0;
	s1 =	sshll.u32 s1, $0x11  }
0xbc: {  	s0 =	sor.u32 s1, s0  }
0xbd: {  	s0 =	sadd.s32 $0x8F2B, s0  }
0xbe: {  	[sflag:s0] =	ssyncadd.remote.s32 $0x1  }
0xbf: {  	_ =	sfence.sel $0xFFFF  }
0xc0: {  	[dreg:$0x0] =	wrdreg $0xFFFFFFFF;
	(pc) =	sbr.abs _section_cstart, $3  }
0xc1: {  	[dreg:$0x1] =	wrdreg $0xFFFFFFFF  }
0xc2: {  	_ =	task.clear_ibuf [dreg:s7], $0x2FFFF;
	_ =	strace $0x9FFFFFFF  }
0xc3: {  	(tm) =	ssettm $0x7FFFFFFF  }
tec
execute0_lowered:
.L_overlay_start_1:
0x0: {  	(tag) =	ssettag $0x1  }
0x1: {  	s5 =	rddreg [dreg:$0x0]  }
0x2: {  	s13 =	rddreg [dreg:$0x1];
	s0 =	srdreg.scid  }
0x3: {  	s2 =	rddreg [dreg:$0x2];
	s1 =	stileid.u32;
	s3 =	simm.s32 $0x0  }
0x4: {  	s15 =	simm.s32 $0x2;
	s16 =	simm.s32 $0x80;
	s17 =	simm.s32 $0x1  }
0x5: {  	s9 =	sand.u32 $0x1, s0;
	s0 =	rddreg [dreg:$0x3];
	s7 =	smul.u32 $0x14000, s1  }
0x6: {  	s20 =	simm.s32 $0x0;
	[smem:$0x7FF] =	sst s3;
	s8 =	smul.u32 $0x50000, s1  }
0x7: {  	s4 =	sadd.s32 $0xA2200, s5;
	s10 =	sshll.u32 s1, $0x9;
	p0 =	slt.u32 s1, $0x2  }
0x8: {  	s18 =	sshll.u32 s1, $0x6;
	s6 =	smul.u32 $0x140000, s9;
	_ =	strace $0x8000004A  }
0x9: {  	s30 =	ssub.s32 $0x2, s9;
	s14 =	sshll.u32 s9, $0x8;
	s9 =	simm.s32 $0x4F  }
0xa: {  	s18 =	sor.u32 $0x1C02, s18;
	s8 =	sshrl.u32 s8, $0x2;
	s31 =	sshrl.u32 s30, $0x1  }
0xb: {  	s14 =	sor.u32 s14, s10;
	s9 =	simm.s32 @!p0 $0x4E;
	s6 =	sadd.s32 s7, s6  }
0xc: {  	s12 =	ssub.s32 s30, s31;
	s14 =	sshrl.u32 s14, $0x3;
	s6 =	sshrl.u32 s6, $0x3  }
0xd: {  	s12 =	smax.u32 s12, $0x1;
	s13 =	sadd.s32 s14, s13;
	s14 =	simm.s32 $0x100  }
0xe: {  	s11 =	sadd.s32 s6, s5;
	s5 =	sadd.s32 s8, s2;
	s13 =	sadd.s32 $0x10, s13  }
0xf: {  	s6 =	sadd.s32 $0x4000, s5;
	s7 =	sadd.s32 $0x8000, s5;
	s8 =	sadd.s32 $0xC000, s5  }
0x10: {  	v0 =	vimm.f32 $0.0e+00;
	s10 =	sadd.s32 $0x10000, s5;
	s11 =	sadd.s32 $0xCA200, s11;
	s19 =	sshrl.u32 s5, $0x3  }
.LBB2_1:
0x11: {  	s21 =	sand.u32 $0xFE00, s3  }
0x12: {  	s22 =	sand.u32 $0x70, s3;
	s23 =	sshrl.u32 s21, $0x2  }
0x13: {  	s21 =	simm.s32 $0x40;
	s23 =	sor.u32 s22, s23;
	s22 =	simm.s32 $0x0  }
.LBB2_2:
0x14: {  	p0 =	sne.s32 s21, $0xFFC0  }
0x15: {  	[tilespmem:s23+$0x100] =	vst v0;
	s22 =	sadd.s32 $0x10, s22;
	s23 =	smov.u32 s21;
	s21 =	sadd.s32 $0x40, s21  }
.Ltmp0:
0x16: {  	(pc) =	sbr.rel @p0 .LBB2_2-.Ltmp0, $4  }
0x17: {  	_ = 	snop  }
0x18: {  	s23 =	sand.u32 $0xFE00, s23  }
0x19: {  	s24 =	sand.u32 $0x70, s22;
	s23 =	sshrl.u32 s23, $0x2  }
0x1a: {  	s23 =	sor.u32 s24, s23  }
0x1b: {  	[tilespmem:s23+$0x100] =	vst v0  }
0x1c: {  	[spmem:s5] =	stream.linear.scatter [tilespmem:s14], [sflag:$0x2], $0x4000, $0x38;
	[tilespmem:$0x18100] =	vst v63  }
0x1d: {  	_ =	swait.ge [sflag:s15], $0x4000  }
0x1e: {  	[sflag:s15] =	ssyncset.done $0x0  }
0x1f: {  	[sflag:s15] =	ssyncadd.s32 $0xFFFFC000  }
0x20: {  	[spmem:s6] =	stream.linear.scatter [tilespmem:s14], [sflag:$0x2], $0x4000, $0x38;
	[tilespmem:$0x18100] =	vst v63  }
0x21: {  	_ =	swait.ge [sflag:s15], $0x4000  }
0x22: {  	[sflag:s15] =	ssyncset.done $0x0  }
0x23: {  	[sflag:s15] =	ssyncadd.s32 $0xFFFFC000  }
0x24: {  	[spmem:s7] =	stream.linear.scatter [tilespmem:s14], [sflag:$0x2], $0x4000, $0x38;
	[tilespmem:$0x18100] =	vst v63  }
0x25: {  	_ =	swait.ge [sflag:s15], $0x4000  }
0x26: {  	[sflag:s15] =	ssyncset.done $0x0  }
0x27: {  	[sflag:s15] =	ssyncadd.s32 $0xFFFFC000  }
0x28: {  	[spmem:s8] =	stream.linear.scatter [tilespmem:s14], [sflag:$0x2], $0x4000, $0x38;
	[tilespmem:$0x18100] =	vst v63  }
0x29: {  	_ =	swait.ge [sflag:s15], $0x4000  }
0x2a: {  	[sflag:s15] =	ssyncset.done $0x0  }
0x2b: {  	p1 =	sne.s32 s9, $0x1;
	[sflag:s15] =	ssyncadd.s32 $0xFFFFC000  }
0x2c: {  	[spmem:s10] =	stream.linear.scatter [tilespmem:s14], [sflag:$0x2], $0x4000, $0x38;
	[tilespmem:$0x18100] =	vst v63  }
.Ltmp1:
0x2d: {  	_ =	swait.ge [sflag:s15], $0x4000;
	(pc) =	sbr.rel @!p1 .LBB2_6-.Ltmp1, $4  }
0x2e: {  	[sflag:s15] =	ssyncset.done $0x0  }
0x2f: {  	[sflag:s15] =	ssyncadd.s32 $0xFFFFC000  }
0x30: {  	[bflag:$0x0] =	sbarrier.arrive $0xFFFF  }
0x31: {  	s22 =	sadd.s32 $0xFFFFFFFF, s9;
	p0 =	por $0x0, $0x0;
	s21 =	smov.u32 s13  }
0x32: {  	s21 =	sadd.s32 $0xFFFFFFF0, s13  }
0x33: {  	[tilespmem:s3], [sflag:$0x2] =	stream.linear.gather [hbm4b:s21+s3], $0x80, $0x38;
	[tilespmem:$0x18100] =	vst v63  }
0x34: {  	_ =	swait.ge [sflag:s15], $0x80  }
0x35: {  	[sflag:s15] =	ssyncset.done $0x0  }
0x36: {  	[sflag:s15] =	ssyncadd.s32 $0xFFFFFF80  }
0x37: {  	[tilespmem:s16], [sflag:$0x2] =	stream.linear.gather [hbm4b:s13+s3], $0x80, $0x38;
	[tilespmem:$0x18100] =	vst v63  }
0x38: {  	_ =	swait.ge [sflag:s15], $0x80  }
0x39: {  	[sflag:s15] =	ssyncset.done $0x0  }
0x3a: {  	[sflag:s15] =	ssyncadd.s32 $0xFFFFFF80  }
0x3b: {  	[tilespmem:s14], [sflag:$0x1] =	stream.indirect.gather [hbm4b:s4+s16], $0x80, s3, s16, $0xb8;
	[tilespmem:$0x18100] =	vst v63  }
0x3c: {  	p1 =	sne.s32 s22, $0x1;
	_ =	swait.ge [sflag:s17], $0x4000  }
.Ltmp2:
0x3d: {  	[sflag:s17] =	ssyncset.done $0x0;
	(pc) =	sbr.rel @!p1 .LBB2_6-.Ltmp2, $4  }
0x3e: {  	[sflag:s17] =	ssyncadd.s32 $0xFFFFC000  }
0x3f: {  	[spmem:s2] =	stream.indirect.scatter.add.f32 [tilespmem:s14], [sflag:$0x2], $0x80, s16, s16, $0xb8;
	[tilespmem:$0x18100] =	vst v63  }
0x40: {  	s22 =	sadd.s32 $0xFFFFFFFF, s22;
	_ =	swait.ge [sflag:s15], $0x4000  }
0x41: {  	p0 =	por $0x1, $0x1;
	s21 =	sadd.s32 $0x400, s13;
	[sflag:s15] =	ssyncset.done $0x0  }
.LBB2_5:
0x42: {  	p1 =	sne.s32 s22, $0x1;
	s23 =	sadd.s32 $0xFFFFFFF0, s21;
	[sflag:s15] =	ssyncadd.s32 $0xFFFFC000  }
0x43: {  	[tilespmem:s3], [sflag:$0x2] =	stream.linear.gather [hbm4b:s23+s3], $0x80, $0x38;
	[tilespmem:$0x18100] =	vst v63  }
0x44: {  	s22 =	sadd.s32 $0xFFFFFFFF, s22;
	_ =	swait.ge [sflag:s15], $0x80  }
0x45: {  	[sflag:s15] =	ssyncset.done $0x0  }
0x46: {  	[sflag:s15] =	ssyncadd.s32 $0xFFFFFF80  }
0x47: {  	[tilespmem:s16], [sflag:$0x2] =	stream.linear.gather [hbm4b:s21+s3], $0x80, $0x38;
	[tilespmem:$0x18100] =	vst v63  }
0x48: {  	_ =	swait.ge [sflag:s15], $0x80  }
0x49: {  	[sflag:s15] =	ssyncset.done $0x0  }
0x4a: {  	[sflag:s15] =	ssyncadd.s32 $0xFFFFFF80  }
0x4b: {  	[tilespmem:s14], [sflag:$0x1] =	stream.indirect.gather [hbm4b:s4+s16], $0x80, s3, s16, $0xb8;
	[tilespmem:$0x18100] =	vst v63  }
0x4c: {  	_ =	swait.ge [sflag:s17], $0x4000  }
.Ltmp3:
0x4d: {  	[sflag:s17] =	ssyncset.done $0x0;
	(pc) =	sbr.rel @p1 .LBB2_5-.Ltmp3, $4  }
0x4e: {  	[sflag:s17] =	ssyncadd.s32 $0xFFFFC000  }
0x4f: {  	[spmem:s2] =	stream.indirect.scatter.add.f32 [tilespmem:s14], [sflag:$0x2], $0x80, s16, s16, $0xb8;
	[tilespmem:$0x18100] =	vst v63  }
0x50: {  	_ =	swait.ge [sflag:s15], $0x4000  }
0x51: {  	s21 =	sadd.s32 $0x400, s21;
	[sflag:s15] =	ssyncset.done $0x0  }
.LBB2_6:
0x52: {  	s22 =	sadd.s32 $0xFFFFFFF0, s21;
	[sflag:s15] =	ssyncadd.s32 @p0 $0xFFFFC000  }
0x53: {  	[tilespmem:s3], [sflag:$0x2] =	stream.linear.gather [hbm4b:s22+s3], $0x80, $0x38;
	[tilespmem:$0x18100] =	vst v63  }
0x54: {  	_ =	swait.ge [sflag:s15], $0x80  }
0x55: {  	[sflag:s15] =	ssyncset.done $0x0  }
0x56: {  	[sflag:s15] =	ssyncadd.s32 $0xFFFFFF80  }
0x57: {  	[tilespmem:s16], [sflag:$0x2] =	stream.linear.gather [hbm4b:s21+s3], $0x80, $0x38;
	[tilespmem:$0x18100] =	vst v63  }
0x58: {  	_ =	swait.ge [sflag:s15], $0x80  }
0x59: {  	[sflag:s15] =	ssyncset.done $0x0  }
0x5a: {  	[sflag:s15] =	ssyncadd.s32 $0xFFFFFF80  }
0x5b: {  	[tilespmem:s14], [sflag:$0x1] =	stream.indirect.gather [hbm4b:s4+s16], $0x80, s3, s16, $0xb8;
	[tilespmem:$0x18100] =	vst v63  }
0x5c: {  	_ =	swait.ge [sflag:s17], $0x4000  }
0x5d: {  	[sflag:s17] =	ssyncset.done $0x0  }
0x5e: {  	[sflag:s17] =	ssyncadd.s32 $0xFFFFC000  }
0x5f: {  	[spmem:s2] =	stream.indirect.scatter.add.f32 [tilespmem:s14], [sflag:$0x2], $0x80, s16, s16, $0xb8;
	[tilespmem:$0x18100] =	vst v63  }
0x60: {  	_ =	swait.ge [sflag:s15], $0x4000  }
0x61: {  	s20 =	sadd.s32 $0x1, s20;
	[sflag:s15] =	ssyncset.done $0x0  }
0x62: {  	p0 =	sne.s32 s20, s12;
	[sflag:s15] =	ssyncadd.s32 $0xFFFFC000  }
.Ltmp4:
0x63: {  	[bflag:$0x0] =	sbarrier.arrive $0xFFFF;
	(pc) =	sbr.rel @p0 .LBB2_1-.Ltmp4, $4  }
0x64: {  	[hbm:s11], [sflag:s18] =	dma.local [spmem:s19], $0x2800  }
0x65: {  	_ =	swait.ge [sflag:s15], $0x2800  }
0x66: {  	[sflag:s15] =	ssyncset.done $0x0  }
0x67: {  	[sflag:s15] =	ssyncadd.s32 $0xFFFFD800  }
0x68: {  	_ =	sfence.sel $0x180000  }
0x69: {  	[bflag:$0x0] =	sbarrier.arrive $0xFFFF  }
0x6a: {  	p0 =	sne.s32 s1, $0x0;
	_ =	strace $0x9000004A  }
0x6b: {  	s0 =	sadd.s32 @!p0 $0x100000, s0;
	[bflag:$0x2] =	sbarrier.arrive $0xFFFF  }
0x6c: {  	[sflag:s0] =	ssyncadd.tile.s32 @!p0 $0x1;
	_ =	shalt  }
.Lfunc_end2:
_tile_overlayer_lowered:
.L_overlay_start_2:
0x6d: {  	(tag) =	ssettag $0x2  }
0x6e: {  	s0 =	rddreg [dreg:$0x0];
	s2 =	stileid.u32  }
0x6f: {  	s1 =	rddreg [dreg:$0x1];
	p0 =	sne.s32 s2, $0x0  }
0x70: {  	s3 =	rddreg [dreg:$0x2];
	[bflag:$0x3] =	sbarrier.arrive $0xFFFF;
	s2 =	simm.s32 @!p0 $0x1C02  }
0x71: {  	[timem:s3], [sflag:s2] =	dma.local @!p0 [hbm:s0], s1  }
0x72: {  	s0 =	simm.s32 @!p0 $0x2  }
0x73: {  	_ =	swait.ge @!p0 [sflag:s0], s1  }
0x74: {  	s1 =	ssub.s32 @!p0 $0x0, s1;
	[sflag:s0] =	ssyncset.done @!p0 $0x0  }
0x75: {  	[sflag:s0] =	ssyncadd.s32 @!p0 s1  }
0x76: {  	[bflag:$0x3] =	sbarrier.arrive $0xFFFF  }
0x77: {  	_ =	shalt  }

// kernel: kernel.14.cloned.1.call-start
scs
__scs_entry_jumppad:
0x0: {  	(pc) =	sbr.rel $0x88, $3  }
0x1: {  	(tag) =	ssettag $0x0;
	lr =	simm.s32 $0x1  }
0x2: {  	[smem:$0x3F9B] =	sst lr;
	_ =	strace $0xD0000000  }
0x3: {  	_ = 	snop  }
0x4: {  	_ = 	snop  }
0x5: {  	_ = 	snop  }
0x6: {  	_ = 	snop  }
0x7: {  	_ = 	snop  }
__scs_overlays_trampoline_lowered:
0x8: {  	[smem:$0x3FAA] =	sst s0  }
0x9: {  	[smem:$0x3FAB] =	sst s1  }
0xa: {  	[smem:$0x3FAC] =	sst s2  }
0xb: {  	[smem:$0x3FAD] =	sst s3  }
0xc: {  	[smem:$0x3FAE] =	sst s4  }
0xd: {  	[smem:$0x3FAF] =	sst s5  }
0xe: {  	[smem:$0x3FB0] =	sst s6  }
0xf: {  	[smem:$0x3FB1] =	sst s7  }
0x10: {  	[smem:$0x3FB2] =	sst s8  }
0x11: {  	[smem:$0x3FB3] =	sst s9;
	s0 =	simm.s32 @!p0 $0x0  }
0x12: {  	s1 =	sld [smem:$0x3F99];
	s0 =	simm.s32 @p0 $0x1  }
0x13: {  	[smem:$0x3FB4] =	sst s0;
	s0 =	simm.s32 @!p1 $0x0  }
0x14: {  	s2 =	sld [smem:$0x3F98];
	s0 =	simm.s32 @p1 $0x1  }
0x15: {  	[smem:$0x3FB5] =	sst s0;
	s0 =	simm.s32 @!p2 $0x0  }
0x16: {  	s3 =	sld [smem:$0x3FDB];
	s0 =	simm.s32 @p2 $0x1  }
0x17: {  	s4 =	simm.s32 $0x1BF5;
	[smem:$0x3FB7] =	sst s0  }
0x18: {  	s0 =	sld [smem:$0x3F9A];
	_ =	swait.ge [sflag:s4], $0x0  }
0x19: {  	s7 =	sld [smem:$0x3F9B]  }
0x1a: {  	s8 =	sadd.s32 $0xFFFFE003, lr  }
0x1b: {  	s9 =	sadd.s32 $0xFFFFFEF7, lr;
	s5 =	simm.s32 $0xFFFFFFFF;
	p2 =	slt.u32 s8, $0xFFFFF086  }
0x1c: {  	p1 =	slt.u32 s9, $0xF7A;
	s5 =	simm.s32 @!p2 $0x0  }
0x1d: {  	s5 =	simm.s32 @p1 $0x1;
	p0 =	seq.s32 s7, s2  }
0x1e: {  	s7 =	smul.u32 @!p0 $0xF7A, s2;
	p2 =	seq.s32 @!p0 s5, $0x0  }
0x1f: {  	s9 =	smul.u32 $0xF7A, s1;
	s8 =	simm.s32 @!p0 $0x1BF5;
	p2 =	por !p2, p0  }
0x20: {  	[sflag:s8] =	ssyncset.s32 @!p0 $0xFFFFF086;
	s6 =	sadd.s32 @!p0 s3, s7;
	s7 =	simm.s32 @!p0 $0x108  }
0x21: {  	s3 =	sadd.s32 s3, s9;
	s6 =	sadd.s32 @!p0 $0x88, s6;
	s7 =	simm.s32 @p2 $0x1082  }
0x22: {  	[simem:s7], [sflag:s8] =	dma.local @!p0 [hbm:s6], $0xF7A  }
0x23: {  	s9 =	sor.u32 $0xD0000000, s2;
	s6 =	simm.s32 $0x108;
	_ =	swait.ge @!p0 [sflag:s8], $0x0  }
0x24: {  	s3 =	sadd.s32 $0x88, s3;
	s6 =	simm.s32 @!p1 $0x1082;
	[sflag:s4] =	ssyncset.s32 $0xFFFFF086  }
0x25: {  	[simem:s6], [sflag:s4] =	dma.local [hbm:s3], $0xF7A  }
0x26: {  	[smem:$0x3F9B] =	sst s1;
	(tag) =	ssettag s2;
	_ =	strace s9  }
0x27: {  	s1 =	sld [smem:$0x3FAB]  }
0x28: {  	s2 =	sld [smem:$0x3FAC]  }
0x29: {  	s4 =	sld [smem:$0x3FAE]  }
0x2a: {  	p0 =	seq.s32 s5, $0x0;
	s5 =	sld [smem:$0x3FAF]  }
0x2b: {  	s6 =	sld [smem:$0x3FB0]  }
0x2c: {  	s7 =	sld [smem:$0x3FB1]  }
0x2d: {  	s3 =	simm.s32 $0x108;
	s8 =	sld [smem:$0x3FB2]  }
0x2e: {  	s3 =	simm.s32 @!p0 $0x1082;
	s9 =	sld [smem:$0x3FB3]  }
0x2f: {  	lr =	sadd.s32 s0, s3;
	s0 =	sld [smem:$0x3FAA]  }
0x30: {  	s3 =	sld [smem:$0x3FAD]  }
0x31: {  	[smem:$0x3FB6] =	sst s10  }
0x32: {  	s10 =	sld [smem:$0x3FB4];
	_ =	sdelay $0x3  }
0x33: {  	p0 =	seq.s32 s10, $0x1;
	s10 =	sld [smem:$0x3FB6];
	_ =	sdelay $0x3  }
0x34: {  	[smem:$0x3FB6] =	sst s10  }
0x35: {  	s10 =	sld [smem:$0x3FB5];
	_ =	sdelay $0x3  }
0x36: {  	p1 =	seq.s32 s10, $0x1;
	s10 =	sld [smem:$0x3FB6];
	_ =	sdelay $0x3  }
0x37: {  	[smem:$0x3FB6] =	sst s10  }
0x38: {  	s10 =	sld [smem:$0x3FB7]  }
0x39: {  	_ = 	snop;
	(pc) =	sbr.ind lr, $3  }
0x3a: {  	_ = 	snop  }
0x3b: {  	_ = 	snop  }
0x3c: {  	p2 =	seq.s32 s10, $0x1;
	s10 =	sld [smem:$0x3FB6]  }
0x3d: {  	_ =	shalt  }
0x3e: {  	_ =	shalt  }
0x3f: {  	_ =	shalt  }
0x40: {  	_ =	shalt  }
0x41: {  	_ =	shalt  }
0x42: {  	_ =	shalt  }
0x43: {  	_ =	shalt  }
0x44: {  	_ =	shalt  }
0x45: {  	_ =	shalt  }
0x46: {  	_ =	shalt  }
0x47: {  	_ =	shalt  }
0x48: {  	_ =	shalt  }
0x49: {  	_ =	shalt  }
0x4a: {  	_ =	shalt  }
0x4b: {  	_ =	shalt  }
0x4c: {  	_ =	shalt  }
0x4d: {  	_ =	shalt  }
0x4e: {  	_ =	shalt  }
0x4f: {  	_ =	shalt  }
0x50: {  	_ =	shalt  }
0x51: {  	_ =	shalt  }
0x52: {  	_ =	shalt  }
0x53: {  	_ =	shalt  }
0x54: {  	_ =	shalt  }
0x55: {  	_ =	shalt  }
0x56: {  	_ =	shalt  }
0x57: {  	_ =	shalt  }
0x58: {  	_ =	shalt  }
0x59: {  	_ =	shalt  }
0x5a: {  	_ =	shalt  }
0x5b: {  	_ =	shalt  }
0x5c: {  	_ =	shalt  }
0x5d: {  	_ =	shalt  }
0x5e: {  	_ =	shalt  }
0x5f: {  	_ =	shalt  }
0x60: {  	_ =	shalt  }
0x61: {  	_ =	shalt  }
0x62: {  	_ =	shalt  }
0x63: {  	_ =	shalt  }
0x64: {  	_ =	shalt  }
0x65: {  	_ =	shalt  }
0x66: {  	_ =	shalt  }
0x67: {  	_ =	shalt  }
0x68: {  	_ =	shalt  }
0x69: {  	_ =	shalt  }
0x6a: {  	_ =	shalt  }
0x6b: {  	_ =	shalt  }
0x6c: {  	_ =	shalt  }
0x6d: {  	_ =	shalt  }
0x6e: {  	_ =	shalt  }
0x6f: {  	_ =	shalt  }
0x70: {  	_ =	shalt  }
0x71: {  	_ =	shalt  }
0x72: {  	_ =	shalt  }
0x73: {  	_ =	shalt  }
0x74: {  	_ =	shalt  }
0x75: {  	_ =	shalt  }
0x76: {  	_ =	shalt  }
0x77: {  	_ =	shalt  }
0x78: {  	_ =	shalt  }
0x79: {  	_ =	shalt  }
0x7a: {  	_ =	shalt  }
0x7b: {  	_ =	shalt  }
0x7c: {  	_ =	shalt  }
0x7d: {  	_ =	shalt  }
0x7e: {  	_ =	shalt  }
0x7f: {  	_ =	shalt  }
0x80: {  	_ =	shalt  }
0x81: {  	_ =	shalt  }
0x82: {  	_ =	shalt  }
0x83: {  	_ =	shalt  }
0x84: {  	_ =	shalt  }
0x85: {  	_ =	shalt  }
0x86: {  	_ =	shalt  }
0x87: {  	_ =	shalt  }
.Lfunc_end0:
.L_simem_size_0:
called_computation.2_lowered:
.L_overlay_start_0:
0x88: {  	s2 =	sld [smem:$0x3FD9]  }
0x89: {  	s3 =	sld [smem:$0x3FFE];
	_ =	sdelay $0x1  }
0x8a: {  	s1 =	srdreg.scid  }
0x8b: {  	s0 =	sand.u32 $0x1, s1  }
0x8c: {  	s17 =	sshll.u32 s0, $0xA;
	s2 =	sadd.s32 s3, s2  }
0x8d: {  	s2 =	sadd.s32 s2, s17  }
0x8e: {  	[smem:$0x3FC2] =	sst s2  }
0x8f: {  	_ = 	snop  }
0x90: {  	s2 =	sld [smem:$0x3FC8];
	(tm) =	ssettm $0x1  }
0x91: {  	s18 =	sld [smem:$0x3FFB];
	_ =	sdelay $0x3  }
0x92: {  	_ =	strace s18  }
0x93: {  	s3 =	sld [smem:$0x3FFC];
	_ =	sdelay $0x3  }
0x94: {  	_ =	strace s3  }
0x95: {  	s3 =	sld [smem:$0x3FFD];
	_ =	sdelay $0x3  }
0x96: {  	_ =	strace s3  }
0x97: {  	_ =	strace $0x8FFFFFFF  }
0x98: {  	s19 =	sld [smem:$0x3FDB];
	_ =	sdelay $0x1  }
0x99: {  	s4 =	simm.s32 $_scs_section_size  }
0x9a: {  	s5 =	simm.s32 $_size__tile_overlayer_lowered;
	s6 =	simm.s32 $_tile_overlayer_lowered  }
0x9b: {  	s22 =	simm.s32 $0x1BFF;
	s21 =	sshll.u32 s6, $0x1;
	s3 =	sadd.s32 s4, s19  }
0x9c: {  	s7 =	simm.s32 $0x0;
	s20 =	sshll.u32 s5, $0x1;
	s5 =	sadd.s32 s21, s3  }
0x9d: {  	[timem:s7], [sflag:s22] =	dma.local [hbm:s5], s20  }
0x9e: {  	_ =	swait.ge [sflag:s22], s20  }
0x9f: {  	s4 =	ssub.s32 $0x0, s20;
	[sflag:s22] =	ssyncset.done $0x0  }
0xa0: {  	[sflag:s22] =	ssyncadd.s32 s4;
	_ =	sdelay $0x1  }
0xa1: {  	s23 =	simm.s32 $0x1B8B  }
0xa2: {  	_ =	swait.ge [sflag:s23], $0x1  }
0xa3: {  	[sflag:s23] =	ssyncset.done $0x0  }
0xa4: {  	s25 =	simm.s32 $0x1B8E;
	s24 =	sld [smem:$0x3FFE];
	[sflag:s23] =	ssyncadd.s32 $0xFFFFFFFF  }
0xa5: {  	s26 =	simm.s32 $execute0_lowered;
	[smem:$0x3FD2] =	sst s25  }
0xa6: {  	s5 =	sshll.u32 s26, $0x1;
	_ =	strace $0x8000004C;
	[dreg:$0x1] =	wrdreg $0xFFFFFFFF  }
0xa7: {  	s28 =	simm.s32 $_size_execute0_lowered;
	s3 =	sadd.s32 s3, s5;
	[dreg:$0x0] =	wrdreg $0x0  }
0xa8: {  	s5 =	sshll.u32 s28, $0x1;
	[dreg:$0x2] =	wrdreg s3  }
0xa9: {  	[dreg:$0x3] =	wrdreg s5  }
0xaa: {  	[dreg:$0x4] =	wrdreg $0xC0  }
0xab: {  	_ =	task [dreg:s7], $0x5FFFF  }
0xac: {  	[dreg:$0x1] =	wrdreg $0xFFFFFFFF  }
0xad: {  	[dreg:$0x0] =	wrdreg $0x60  }
0xae: {  	[dreg:$0x2] =	wrdreg s24  }
0xaf: {  	[dreg:$0x3] =	wrdreg s2  }
0xb0: {  	[dreg:$0x4] =	wrdreg $0x41000  }
0xb1: {  	[dreg:$0x5] =	wrdreg $0x9  }
0xb2: {  	_ =	task.clear_ibuf [dreg:s7], $0x6FFFF;
	_ =	strace $0x9000004C  }
0xb3: {  	s29 =	simm.s32 $0x9;
	_ =	strace $0x8000004E  }
0xb4: {  	_ =	swait.ge [sflag:s29], $0x1  }
0xb5: {  	[sflag:s29] =	ssyncadd.s32 $0xFFFFFFFF  }
0xb6: {  	_ =	strace $0x9000004E  }
0xb7: {  	_ =	sfence  }
0xb8: {  	s30 =	sld [smem:$0x0];
	_ =	sdelay $0x2  }
0xb9: {  	s31 =	sshll.u32 s1, $0xD;
	s1 =	sshrl.u32 s1, $0x2  }
0xba: {  	s3 =	sand.u32 $0x4000, s31;
	s1 =	sadd.s32 s1, s30  }
0xbb: {  	s0 =	sor.u32 s3, s0;
	s1 =	sshll.u32 s1, $0x11  }
0xbc: {  	s0 =	sor.u32 s1, s0  }
0xbd: {  	s0 =	sadd.s32 $0x8F2B, s0  }
0xbe: {  	[sflag:s0] =	ssyncadd.remote.s32 $0x1  }
0xbf: {  	_ =	sfence.sel $0xFFFF  }
0xc0: {  	[dreg:$0x0] =	wrdreg $0xFFFFFFFF;
	(pc) =	sbr.abs _section_cstart, $3  }
0xc1: {  	[dreg:$0x1] =	wrdreg $0xFFFFFFFF  }
0xc2: {  	_ =	task.clear_ibuf [dreg:s7], $0x2FFFF;
	_ =	strace $0x9FFFFFFF  }
0xc3: {  	(tm) =	ssettm $0x7FFFFFFF  }
tec
execute0_lowered:
.L_overlay_start_1:
0x0: {  	(tag) =	ssettag $0x1  }
0x1: {  	s5 =	rddreg [dreg:$0x0]  }
0x2: {  	s13 =	rddreg [dreg:$0x1];
	s0 =	srdreg.scid  }
0x3: {  	s2 =	rddreg [dreg:$0x2];
	s1 =	stileid.u32;
	s3 =	simm.s32 $0x0  }
0x4: {  	s15 =	simm.s32 $0x2;
	s16 =	simm.s32 $0x80;
	s17 =	simm.s32 $0x1  }
0x5: {  	s9 =	sand.u32 $0x1, s0;
	s0 =	rddreg [dreg:$0x3];
	s7 =	smul.u32 $0x14000, s1  }
0x6: {  	s20 =	simm.s32 $0x0;
	[smem:$0x7FF] =	sst s3;
	s8 =	smul.u32 $0x50000, s1  }
0x7: {  	s4 =	sadd.s32 $0xA2200, s5;
	s10 =	sshll.u32 s1, $0x9;
	p0 =	slt.u32 s1, $0x2  }
0x8: {  	s18 =	sshll.u32 s1, $0x6;
	s6 =	smul.u32 $0x140000, s9;
	_ =	strace $0x8000004D  }
0x9: {  	s30 =	ssub.s32 $0x2, s9;
	s14 =	sshll.u32 s9, $0x8;
	s9 =	simm.s32 $0x4F  }
0xa: {  	s18 =	sor.u32 $0x1C02, s18;
	s8 =	sshrl.u32 s8, $0x2;
	s31 =	sshrl.u32 s30, $0x1  }
0xb: {  	s14 =	sor.u32 s14, s10;
	s9 =	simm.s32 @!p0 $0x4E;
	s6 =	sadd.s32 s7, s6  }
0xc: {  	s12 =	ssub.s32 s30, s31;
	s14 =	sshrl.u32 s14, $0x3;
	s6 =	sshrl.u32 s6, $0x3  }
0xd: {  	s12 =	smax.u32 s12, $0x1;
	s13 =	sadd.s32 s14, s13;
	s14 =	simm.s32 $0x100  }
0xe: {  	s11 =	sadd.s32 s6, s5;
	s5 =	sadd.s32 s8, s2;
	s13 =	sadd.s32 $0x10, s13  }
0xf: {  	s6 =	sadd.s32 $0x4000, s5;
	s7 =	sadd.s32 $0x8000, s5;
	s8 =	sadd.s32 $0xC000, s5  }
0x10: {  	v0 =	vimm.f32 $0.0e+00;
	s10 =	sadd.s32 $0x10000, s5;
	s11 =	sadd.s32 $0xCA200, s11;
	s19 =	sshrl.u32 s5, $0x3  }
.LBB2_1:
0x11: {  	s21 =	sand.u32 $0xFE00, s3  }
0x12: {  	s22 =	sand.u32 $0x70, s3;
	s23 =	sshrl.u32 s21, $0x2  }
0x13: {  	s21 =	simm.s32 $0x40;
	s23 =	sor.u32 s22, s23;
	s22 =	simm.s32 $0x0  }
.LBB2_2:
0x14: {  	p0 =	sne.s32 s21, $0xFFC0  }
0x15: {  	[tilespmem:s23+$0x100] =	vst v0;
	s22 =	sadd.s32 $0x10, s22;
	s23 =	smov.u32 s21;
	s21 =	sadd.s32 $0x40, s21  }
.Ltmp0:
0x16: {  	(pc) =	sbr.rel @p0 .LBB2_2-.Ltmp0, $4  }
0x17: {  	_ = 	snop  }
0x18: {  	s23 =	sand.u32 $0xFE00, s23  }
0x19: {  	s24 =	sand.u32 $0x70, s22;
	s23 =	sshrl.u32 s23, $0x2  }
0x1a: {  	s23 =	sor.u32 s24, s23  }
0x1b: {  	[tilespmem:s23+$0x100] =	vst v0  }
0x1c: {  	[spmem:s5] =	stream.linear.scatter [tilespmem:s14], [sflag:$0x2], $0x4000, $0x38;
	[tilespmem:$0x18100] =	vst v63  }
0x1d: {  	_ =	swait.ge [sflag:s15], $0x4000  }
0x1e: {  	[sflag:s15] =	ssyncset.done $0x0  }
0x1f: {  	[sflag:s15] =	ssyncadd.s32 $0xFFFFC000  }
0x20: {  	[spmem:s6] =	stream.linear.scatter [tilespmem:s14], [sflag:$0x2], $0x4000, $0x38;
	[tilespmem:$0x18100] =	vst v63  }
0x21: {  	_ =	swait.ge [sflag:s15], $0x4000  }
0x22: {  	[sflag:s15] =	ssyncset.done $0x0  }
0x23: {  	[sflag:s15] =	ssyncadd.s32 $0xFFFFC000  }
0x24: {  	[spmem:s7] =	stream.linear.scatter [tilespmem:s14], [sflag:$0x2], $0x4000, $0x38;
	[tilespmem:$0x18100] =	vst v63  }
0x25: {  	_ =	swait.ge [sflag:s15], $0x4000  }
0x26: {  	[sflag:s15] =	ssyncset.done $0x0  }
0x27: {  	[sflag:s15] =	ssyncadd.s32 $0xFFFFC000  }
0x28: {  	[spmem:s8] =	stream.linear.scatter [tilespmem:s14], [sflag:$0x2], $0x4000, $0x38;
	[tilespmem:$0x18100] =	vst v63  }
0x29: {  	_ =	swait.ge [sflag:s15], $0x4000  }
0x2a: {  	[sflag:s15] =	ssyncset.done $0x0  }
0x2b: {  	p1 =	sne.s32 s9, $0x1;
	[sflag:s15] =	ssyncadd.s32 $0xFFFFC000  }
0x2c: {  	[spmem:s10] =	stream.linear.scatter [tilespmem:s14], [sflag:$0x2], $0x4000, $0x38;
	[tilespmem:$0x18100] =	vst v63  }
.Ltmp1:
0x2d: {  	_ =	swait.ge [sflag:s15], $0x4000;
	(pc) =	sbr.rel @!p1 .LBB2_6-.Ltmp1, $4  }
0x2e: {  	[sflag:s15] =	ssyncset.done $0x0  }
0x2f: {  	[sflag:s15] =	ssyncadd.s32 $0xFFFFC000  }
0x30: {  	[bflag:$0x0] =	sbarrier.arrive $0xFFFF  }
0x31: {  	s22 =	sadd.s32 $0xFFFFFFFF, s9;
	p0 =	por $0x0, $0x0;
	s21 =	smov.u32 s13  }
0x32: {  	s21 =	sadd.s32 $0xFFFFFFF0, s13  }
0x33: {  	[tilespmem:s3], [sflag:$0x2] =	stream.linear.gather [hbm4b:s21+s3], $0x80, $0x38;
	[tilespmem:$0x18100] =	vst v63  }
0x34: {  	_ =	swait.ge [sflag:s15], $0x80  }
0x35: {  	[sflag:s15] =	ssyncset.done $0x0  }
0x36: {  	[sflag:s15] =	ssyncadd.s32 $0xFFFFFF80  }
0x37: {  	[tilespmem:s16], [sflag:$0x2] =	stream.linear.gather [hbm4b:s13+s3], $0x80, $0x38;
	[tilespmem:$0x18100] =	vst v63  }
0x38: {  	_ =	swait.ge [sflag:s15], $0x80  }
0x39: {  	[sflag:s15] =	ssyncset.done $0x0  }
0x3a: {  	[sflag:s15] =	ssyncadd.s32 $0xFFFFFF80  }
0x3b: {  	[tilespmem:s14], [sflag:$0x1] =	stream.indirect.gather [hbm4b:s4+s16], $0x80, s3, s16, $0xb8;
	[tilespmem:$0x18100] =	vst v63  }
0x3c: {  	p1 =	sne.s32 s22, $0x1;
	_ =	swait.ge [sflag:s17], $0x4000  }
.Ltmp2:
0x3d: {  	[sflag:s17] =	ssyncset.done $0x0;
	(pc) =	sbr.rel @!p1 .LBB2_6-.Ltmp2, $4  }
0x3e: {  	[sflag:s17] =	ssyncadd.s32 $0xFFFFC000  }
0x3f: {  	[spmem:s2] =	stream.indirect.scatter.add.f32 [tilespmem:s14], [sflag:$0x2], $0x80, s16, s16, $0xb8;
	[tilespmem:$0x18100] =	vst v63  }
0x40: {  	s22 =	sadd.s32 $0xFFFFFFFF, s22;
	_ =	swait.ge [sflag:s15], $0x4000  }
0x41: {  	p0 =	por $0x1, $0x1;
	s21 =	sadd.s32 $0x400, s13;
	[sflag:s15] =	ssyncset.done $0x0  }
.LBB2_5:
0x42: {  	p1 =	sne.s32 s22, $0x1;
	s23 =	sadd.s32 $0xFFFFFFF0, s21;
	[sflag:s15] =	ssyncadd.s32 $0xFFFFC000  }
0x43: {  	[tilespmem:s3], [sflag:$0x2] =	stream.linear.gather [hbm4b:s23+s3], $0x80, $0x38;
	[tilespmem:$0x18100] =	vst v63  }
0x44: {  	s22 =	sadd.s32 $0xFFFFFFFF, s22;
	_ =	swait.ge [sflag:s15], $0x80  }
0x45: {  	[sflag:s15] =	ssyncset.done $0x0  }
0x46: {  	[sflag:s15] =	ssyncadd.s32 $0xFFFFFF80  }
0x47: {  	[tilespmem:s16], [sflag:$0x2] =	stream.linear.gather [hbm4b:s21+s3], $0x80, $0x38;
	[tilespmem:$0x18100] =	vst v63  }
0x48: {  	_ =	swait.ge [sflag:s15], $0x80  }
0x49: {  	[sflag:s15] =	ssyncset.done $0x0  }
0x4a: {  	[sflag:s15] =	ssyncadd.s32 $0xFFFFFF80  }
0x4b: {  	[tilespmem:s14], [sflag:$0x1] =	stream.indirect.gather [hbm4b:s4+s16], $0x80, s3, s16, $0xb8;
	[tilespmem:$0x18100] =	vst v63  }
0x4c: {  	_ =	swait.ge [sflag:s17], $0x4000  }
.Ltmp3:
0x4d: {  	[sflag:s17] =	ssyncset.done $0x0;
	(pc) =	sbr.rel @p1 .LBB2_5-.Ltmp3, $4  }
0x4e: {  	[sflag:s17] =	ssyncadd.s32 $0xFFFFC000  }
0x4f: {  	[spmem:s2] =	stream.indirect.scatter.add.f32 [tilespmem:s14], [sflag:$0x2], $0x80, s16, s16, $0xb8;
	[tilespmem:$0x18100] =	vst v63  }
0x50: {  	_ =	swait.ge [sflag:s15], $0x4000  }
0x51: {  	s21 =	sadd.s32 $0x400, s21;
	[sflag:s15] =	ssyncset.done $0x0  }
.LBB2_6:
0x52: {  	s22 =	sadd.s32 $0xFFFFFFF0, s21;
	[sflag:s15] =	ssyncadd.s32 @p0 $0xFFFFC000  }
0x53: {  	[tilespmem:s3], [sflag:$0x2] =	stream.linear.gather [hbm4b:s22+s3], $0x80, $0x38;
	[tilespmem:$0x18100] =	vst v63  }
0x54: {  	_ =	swait.ge [sflag:s15], $0x80  }
0x55: {  	[sflag:s15] =	ssyncset.done $0x0  }
0x56: {  	[sflag:s15] =	ssyncadd.s32 $0xFFFFFF80  }
0x57: {  	[tilespmem:s16], [sflag:$0x2] =	stream.linear.gather [hbm4b:s21+s3], $0x80, $0x38;
	[tilespmem:$0x18100] =	vst v63  }
0x58: {  	_ =	swait.ge [sflag:s15], $0x80  }
0x59: {  	[sflag:s15] =	ssyncset.done $0x0  }
0x5a: {  	[sflag:s15] =	ssyncadd.s32 $0xFFFFFF80  }
0x5b: {  	[tilespmem:s14], [sflag:$0x1] =	stream.indirect.gather [hbm4b:s4+s16], $0x80, s3, s16, $0xb8;
	[tilespmem:$0x18100] =	vst v63  }
0x5c: {  	_ =	swait.ge [sflag:s17], $0x4000  }
0x5d: {  	[sflag:s17] =	ssyncset.done $0x0  }
0x5e: {  	[sflag:s17] =	ssyncadd.s32 $0xFFFFC000  }
0x5f: {  	[spmem:s2] =	stream.indirect.scatter.add.f32 [tilespmem:s14], [sflag:$0x2], $0x80, s16, s16, $0xb8;
	[tilespmem:$0x18100] =	vst v63  }
0x60: {  	_ =	swait.ge [sflag:s15], $0x4000  }
0x61: {  	s20 =	sadd.s32 $0x1, s20;
	[sflag:s15] =	ssyncset.done $0x0  }
0x62: {  	p0 =	sne.s32 s20, s12;
	[sflag:s15] =	ssyncadd.s32 $0xFFFFC000  }
.Ltmp4:
0x63: {  	[bflag:$0x0] =	sbarrier.arrive $0xFFFF;
	(pc) =	sbr.rel @p0 .LBB2_1-.Ltmp4, $4  }
0x64: {  	[hbm:s11], [sflag:s18] =	dma.local [spmem:s19], $0x2800  }
0x65: {  	_ =	swait.ge [sflag:s15], $0x2800  }
0x66: {  	[sflag:s15] =	ssyncset.done $0x0  }
0x67: {  	[sflag:s15] =	ssyncadd.s32 $0xFFFFD800  }
0x68: {  	_ =	sfence.sel $0x180000  }
0x69: {  	[bflag:$0x0] =	sbarrier.arrive $0xFFFF  }
0x6a: {  	p0 =	sne.s32 s1, $0x0;
	_ =	strace $0x9000004D  }
0x6b: {  	s0 =	sadd.s32 @!p0 $0x100000, s0;
	[bflag:$0x2] =	sbarrier.arrive $0xFFFF  }
0x6c: {  	[sflag:s0] =	ssyncadd.tile.s32 @!p0 $0x1;
	_ =	shalt  }
.Lfunc_end2:
_tile_overlayer_lowered:
.L_overlay_start_2:
0x6d: {  	(tag) =	ssettag $0x2  }
0x6e: {  	s0 =	rddreg [dreg:$0x0];
	s2 =	stileid.u32  }
0x6f: {  	s1 =	rddreg [dreg:$0x1];
	p0 =	sne.s32 s2, $0x0  }
0x70: {  	s3 =	rddreg [dreg:$0x2];
	[bflag:$0x3] =	sbarrier.arrive $0xFFFF;
	s2 =	simm.s32 @!p0 $0x1C02  }
0x71: {  	[timem:s3], [sflag:s2] =	dma.local @!p0 [hbm:s0], s1  }
0x72: {  	s0 =	simm.s32 @!p0 $0x2  }
0x73: {  	_ =	swait.ge @!p0 [sflag:s0], s1  }
0x74: {  	s1 =	ssub.s32 @!p0 $0x0, s1;
	[sflag:s0] =	ssyncset.done @!p0 $0x0  }
0x75: {  	[sflag:s0] =	ssyncadd.s32 @!p0 s1  }
0x76: {  	[bflag:$0x3] =	sbarrier.arrive $0xFFFF  }
0x77: {  	_ =	shalt  }

// kernel: kernel.8.cloned.1.call-start
scs
__scs_entry_jumppad:
0x0: {  	(pc) =	sbr.rel $0x88, $3  }
0x1: {  	(tag) =	ssettag $0x0;
	lr =	simm.s32 $0x1  }
0x2: {  	[smem:$0x3F9B] =	sst lr;
	_ =	strace $0xD0000000  }
0x3: {  	_ = 	snop  }
0x4: {  	_ = 	snop  }
0x5: {  	_ = 	snop  }
0x6: {  	_ = 	snop  }
0x7: {  	_ = 	snop  }
__scs_overlays_trampoline_lowered:
0x8: {  	[smem:$0x3FAA] =	sst s0  }
0x9: {  	[smem:$0x3FAB] =	sst s1  }
0xa: {  	[smem:$0x3FAC] =	sst s2  }
0xb: {  	[smem:$0x3FAD] =	sst s3  }
0xc: {  	[smem:$0x3FAE] =	sst s4  }
0xd: {  	[smem:$0x3FAF] =	sst s5  }
0xe: {  	[smem:$0x3FB0] =	sst s6  }
0xf: {  	[smem:$0x3FB1] =	sst s7  }
0x10: {  	[smem:$0x3FB2] =	sst s8  }
0x11: {  	[smem:$0x3FB3] =	sst s9;
	s0 =	simm.s32 @!p0 $0x0  }
0x12: {  	s1 =	sld [smem:$0x3F99];
	s0 =	simm.s32 @p0 $0x1  }
0x13: {  	[smem:$0x3FB4] =	sst s0;
	s0 =	simm.s32 @!p1 $0x0  }
0x14: {  	s2 =	sld [smem:$0x3F98];
	s0 =	simm.s32 @p1 $0x1  }
0x15: {  	[smem:$0x3FB5] =	sst s0;
	s0 =	simm.s32 @!p2 $0x0  }
0x16: {  	s3 =	sld [smem:$0x3FDB];
	s0 =	simm.s32 @p2 $0x1  }
0x17: {  	s4 =	simm.s32 $0x1BF5;
	[smem:$0x3FB7] =	sst s0  }
0x18: {  	s0 =	sld [smem:$0x3F9A];
	_ =	swait.ge [sflag:s4], $0x0  }
0x19: {  	s7 =	sld [smem:$0x3F9B]  }
0x1a: {  	s8 =	sadd.s32 $0xFFFFE003, lr  }
0x1b: {  	s9 =	sadd.s32 $0xFFFFFEF7, lr;
	s5 =	simm.s32 $0xFFFFFFFF;
	p2 =	slt.u32 s8, $0xFFFFF086  }
0x1c: {  	p1 =	slt.u32 s9, $0xF7A;
	s5 =	simm.s32 @!p2 $0x0  }
0x1d: {  	s5 =	simm.s32 @p1 $0x1;
	p0 =	seq.s32 s7, s2  }
0x1e: {  	s7 =	smul.u32 @!p0 $0xF7A, s2;
	p2 =	seq.s32 @!p0 s5, $0x0  }
0x1f: {  	s9 =	smul.u32 $0xF7A, s1;
	s8 =	simm.s32 @!p0 $0x1BF5;
	p2 =	por !p2, p0  }
0x20: {  	[sflag:s8] =	ssyncset.s32 @!p0 $0xFFFFF086;
	s6 =	sadd.s32 @!p0 s3, s7;
	s7 =	simm.s32 @!p0 $0x108  }
0x21: {  	s3 =	sadd.s32 s3, s9;
	s6 =	sadd.s32 @!p0 $0x88, s6;
	s7 =	simm.s32 @p2 $0x1082  }
0x22: {  	[simem:s7], [sflag:s8] =	dma.local @!p0 [hbm:s6], $0xF7A  }
0x23: {  	s9 =	sor.u32 $0xD0000000, s2;
	s6 =	simm.s32 $0x108;
	_ =	swait.ge @!p0 [sflag:s8], $0x0  }
0x24: {  	s3 =	sadd.s32 $0x88, s3;
	s6 =	simm.s32 @!p1 $0x1082;
	[sflag:s4] =	ssyncset.s32 $0xFFFFF086  }
0x25: {  	[simem:s6], [sflag:s4] =	dma.local [hbm:s3], $0xF7A  }
0x26: {  	[smem:$0x3F9B] =	sst s1;
	(tag) =	ssettag s2;
	_ =	strace s9  }
0x27: {  	s1 =	sld [smem:$0x3FAB]  }
0x28: {  	s2 =	sld [smem:$0x3FAC]  }
0x29: {  	s4 =	sld [smem:$0x3FAE]  }
0x2a: {  	p0 =	seq.s32 s5, $0x0;
	s5 =	sld [smem:$0x3FAF]  }
0x2b: {  	s6 =	sld [smem:$0x3FB0]  }
0x2c: {  	s7 =	sld [smem:$0x3FB1]  }
0x2d: {  	s3 =	simm.s32 $0x108;
	s8 =	sld [smem:$0x3FB2]  }
0x2e: {  	s3 =	simm.s32 @!p0 $0x1082;
	s9 =	sld [smem:$0x3FB3]  }
0x2f: {  	lr =	sadd.s32 s0, s3;
	s0 =	sld [smem:$0x3FAA]  }
0x30: {  	s3 =	sld [smem:$0x3FAD]  }
0x31: {  	[smem:$0x3FB6] =	sst s10  }
0x32: {  	s10 =	sld [smem:$0x3FB4];
	_ =	sdelay $0x3  }
0x33: {  	p0 =	seq.s32 s10, $0x1;
	s10 =	sld [smem:$0x3FB6];
	_ =	sdelay $0x3  }
0x34: {  	[smem:$0x3FB6] =	sst s10  }
0x35: {  	s10 =	sld [smem:$0x3FB5];
	_ =	sdelay $0x3  }
0x36: {  	p1 =	seq.s32 s10, $0x1;
	s10 =	sld [smem:$0x3FB6];
	_ =	sdelay $0x3  }
0x37: {  	[smem:$0x3FB6] =	sst s10  }
0x38: {  	s10 =	sld [smem:$0x3FB7]  }
0x39: {  	_ = 	snop;
	(pc) =	sbr.ind lr, $3  }
0x3a: {  	_ = 	snop  }
0x3b: {  	_ = 	snop  }
0x3c: {  	p2 =	seq.s32 s10, $0x1;
	s10 =	sld [smem:$0x3FB6]  }
0x3d: {  	_ =	shalt  }
0x3e: {  	_ =	shalt  }
0x3f: {  	_ =	shalt  }
0x40: {  	_ =	shalt  }
0x41: {  	_ =	shalt  }
0x42: {  	_ =	shalt  }
0x43: {  	_ =	shalt  }
0x44: {  	_ =	shalt  }
0x45: {  	_ =	shalt  }
0x46: {  	_ =	shalt  }
0x47: {  	_ =	shalt  }
0x48: {  	_ =	shalt  }
0x49: {  	_ =	shalt  }
0x4a: {  	_ =	shalt  }
0x4b: {  	_ =	shalt  }
0x4c: {  	_ =	shalt  }
0x4d: {  	_ =	shalt  }
0x4e: {  	_ =	shalt  }
0x4f: {  	_ =	shalt  }
0x50: {  	_ =	shalt  }
0x51: {  	_ =	shalt  }
0x52: {  	_ =	shalt  }
0x53: {  	_ =	shalt  }
0x54: {  	_ =	shalt  }
0x55: {  	_ =	shalt  }
0x56: {  	_ =	shalt  }
0x57: {  	_ =	shalt  }
0x58: {  	_ =	shalt  }
0x59: {  	_ =	shalt  }
0x5a: {  	_ =	shalt  }
0x5b: {  	_ =	shalt  }
0x5c: {  	_ =	shalt  }
0x5d: {  	_ =	shalt  }
0x5e: {  	_ =	shalt  }
0x5f: {  	_ =	shalt  }
0x60: {  	_ =	shalt  }
0x61: {  	_ =	shalt  }
0x62: {  	_ =	shalt  }
0x63: {  	_ =	shalt  }
0x64: {  	_ =	shalt  }
0x65: {  	_ =	shalt  }
0x66: {  	_ =	shalt  }
0x67: {  	_ =	shalt  }
0x68: {  	_ =	shalt  }
0x69: {  	_ =	shalt  }
0x6a: {  	_ =	shalt  }
0x6b: {  	_ =	shalt  }
0x6c: {  	_ =	shalt  }
0x6d: {  	_ =	shalt  }
0x6e: {  	_ =	shalt  }
0x6f: {  	_ =	shalt  }
0x70: {  	_ =	shalt  }
0x71: {  	_ =	shalt  }
0x72: {  	_ =	shalt  }
0x73: {  	_ =	shalt  }
0x74: {  	_ =	shalt  }
0x75: {  	_ =	shalt  }
0x76: {  	_ =	shalt  }
0x77: {  	_ =	shalt  }
0x78: {  	_ =	shalt  }
0x79: {  	_ =	shalt  }
0x7a: {  	_ =	shalt  }
0x7b: {  	_ =	shalt  }
0x7c: {  	_ =	shalt  }
0x7d: {  	_ =	shalt  }
0x7e: {  	_ =	shalt  }
0x7f: {  	_ =	shalt  }
0x80: {  	_ =	shalt  }
0x81: {  	_ =	shalt  }
0x82: {  	_ =	shalt  }
0x83: {  	_ =	shalt  }
0x84: {  	_ =	shalt  }
0x85: {  	_ =	shalt  }
0x86: {  	_ =	shalt  }
0x87: {  	_ =	shalt  }
.Lfunc_end0:
.L_simem_size_0:
called_computation_lowered:
.L_overlay_start_0:
0x88: {  	s2 =	sld [smem:$0x3FD9]  }
0x89: {  	s3 =	sld [smem:$0x3FFE];
	_ =	sdelay $0x1  }
0x8a: {  	s1 =	srdreg.scid  }
0x8b: {  	s0 =	sand.u32 $0x1, s1  }
0x8c: {  	s18 =	sshll.u32 s0, $0xA;
	s2 =	sadd.s32 s3, s2  }
0x8d: {  	s2 =	sadd.s32 s2, s18  }
0x8e: {  	[smem:$0x3FC2] =	sst s2  }
0x8f: {  	_ = 	snop  }
0x90: {  	s2 =	sld [smem:$0x3FC8]  }
0x91: {  	s19 =	sld [smem:$0x3FD0];
	(tm) =	ssettm $0x1  }
0x92: {  	s4 =	sld [smem:$0x3FFB];
	_ =	sdelay $0x3  }
0x93: {  	_ =	strace s4  }
0x94: {  	s4 =	sld [smem:$0x3FFC];
	_ =	sdelay $0x3  }
0x95: {  	_ =	strace s4  }
0x96: {  	s4 =	sld [smem:$0x3FFD];
	_ =	sdelay $0x3  }
0x97: {  	_ =	strace s4  }
0x98: {  	_ =	strace $0x8FFFFFFF  }
0x99: {  	s20 =	sld [smem:$0x3FDB];
	_ =	sdelay $0x1  }
0x9a: {  	s5 =	simm.s32 $_scs_section_size  }
0x9b: {  	s6 =	simm.s32 $_size__tile_overlayer_lowered;
	s7 =	simm.s32 $_tile_overlayer_lowered  }
0x9c: {  	s23 =	simm.s32 $0x1BFF;
	s22 =	sshll.u32 s7, $0x1;
	s4 =	sadd.s32 s5, s20  }
0x9d: {  	s8 =	simm.s32 $0x0;
	s21 =	sshll.u32 s6, $0x1;
	s6 =	sadd.s32 s22, s4  }
0x9e: {  	[timem:s8], [sflag:s23] =	dma.local [hbm:s6], s21  }
0x9f: {  	_ =	swait.ge [sflag:s23], s21  }
0xa0: {  	s5 =	ssub.s32 $0x0, s21;
	[sflag:s23] =	ssyncset.done $0x0  }
0xa1: {  	[sflag:s23] =	ssyncadd.s32 s5;
	_ =	sdelay $0x1  }
0xa2: {  	s24 =	simm.s32 $0x1B8B  }
0xa3: {  	_ =	swait.ge [sflag:s24], $0x1  }
0xa4: {  	[sflag:s24] =	ssyncset.done $0x0  }
0xa5: {  	s25 =	simm.s32 $0x1B8E;
	[sflag:s24] =	ssyncadd.s32 $0xFFFFFFFF  }
0xa6: {  	s26 =	simm.s32 $execute0_lowered;
	[smem:$0x3FD2] =	sst s25  }
0xa7: {  	s5 =	sshll.u32 s26, $0x1;
	_ =	strace $0x80000046;
	[dreg:$0x1] =	wrdreg $0xFFFFFFFF  }
0xa8: {  	s28 =	simm.s32 $_size_execute0_lowered;
	s4 =	sadd.s32 s4, s5;
	[dreg:$0x0] =	wrdreg $0x0  }
0xa9: {  	s5 =	sshll.u32 s28, $0x1;
	[dreg:$0x2] =	wrdreg s4  }
0xaa: {  	[dreg:$0x3] =	wrdreg s5  }
0xab: {  	[dreg:$0x4] =	wrdreg $0xC0  }
0xac: {  	_ =	task [dreg:s8], $0x5FFFF  }
0xad: {  	[dreg:$0x1] =	wrdreg $0xFFFFFFFF  }
0xae: {  	[dreg:$0x0] =	wrdreg $0x60  }
0xaf: {  	[dreg:$0x2] =	wrdreg s2  }
0xb0: {  	[dreg:$0x3] =	wrdreg s19  }
0xb1: {  	[dreg:$0x4] =	wrdreg $0x3800  }
0xb2: {  	[dreg:$0x5] =	wrdreg $0x6000  }
0xb3: {  	[dreg:$0x6] =	wrdreg $0x9  }
0xb4: {  	_ =	task.clear_ibuf [dreg:s8], $0x7FFFF;
	_ =	strace $0x90000046  }
0xb5: {  	s29 =	simm.s32 $0x9;
	_ =	strace $0x80000048  }
0xb6: {  	_ =	swait.ge [sflag:s29], $0x1  }
0xb7: {  	[sflag:s29] =	ssyncadd.s32 $0xFFFFFFFF  }
0xb8: {  	_ =	strace $0x90000048  }
0xb9: {  	_ =	sfence  }
0xba: {  	s30 =	sld [smem:$0x0];
	_ =	sdelay $0x2  }
0xbb: {  	s31 =	sshll.u32 s1, $0xD;
	s1 =	sshrl.u32 s1, $0x2  }
0xbc: {  	s3 =	sand.u32 $0x4000, s31;
	s1 =	sadd.s32 s1, s30  }
0xbd: {  	s0 =	sor.u32 s3, s0;
	s1 =	sshll.u32 s1, $0x11  }
0xbe: {  	s0 =	sor.u32 s1, s0  }
0xbf: {  	s0 =	sadd.s32 $0x8F2B, s0  }
0xc0: {  	[sflag:s0] =	ssyncadd.remote.s32 $0x1  }
0xc1: {  	_ =	sfence.sel $0xFFFF  }
0xc2: {  	[dreg:$0x0] =	wrdreg $0xFFFFFFFF;
	(pc) =	sbr.abs _section_cstart, $3  }
0xc3: {  	[dreg:$0x1] =	wrdreg $0xFFFFFFFF  }
0xc4: {  	_ =	task.clear_ibuf [dreg:s8], $0x2FFFF;
	_ =	strace $0x9FFFFFFF  }
0xc5: {  	(tm) =	ssettm $0x7FFFFFFF  }
tec
execute0_lowered:
.L_overlay_start_1:
0x0: {  	(tag) =	ssettag $0x1  }
0x1: {  	s10 =	rddreg [dreg:$0x0]  }
0x2: {  	s8 =	rddreg [dreg:$0x1]  }
0x3: {  	s2 =	rddreg [dreg:$0x2]  }
0x4: {  	s3 =	rddreg [dreg:$0x3]  }
0x5: {  	s0 =	rddreg [dreg:$0x4]  }
0x6: {  	s5 =	srdreg.scid;
	s1 =	stileid.u32  }
0x7: {  	s4 =	simm.s32 $0x0;
	s14 =	simm.s32 $0x80;
	s17 =	simm.s32 $0x20  }
0x8: {  	s18 =	simm.s32 $0x10;
	s20 =	simm.s32 $0x0;
	s6 =	smul.u32 $0x280, s1  }
0x9: {  	s7 =	sand.u32 $0x1, s5;
	[smem:$0x7FF] =	sst s4;
	s12 =	smul.u32 $0x500, s1  }
0xa: {  	s13 =	sshll.u32 s1, $0x9;
	p0 =	slt.u32 s1, $0x2;
	s15 =	sshll.u32 s1, $0x6  }
0xb: {  	s5 =	ssub.s32 $0x2, s7;
	s9 =	smul.u32 $0x5000, s7;
	_ =	strace $0x80000047  }
0xc: {  	s7 =	sshll.u32 s7, $0x8;
	s15 =	sor.u32 $0x1C01, s15;
	s11 =	sshrl.u32 s5, $0x1  }
0xd: {  	s31 =	sor.u32 s7, s13;
	s7 =	simm.s32 $0x4F;
	s13 =	simm.s32 $0x1  }
0xe: {  	s11 =	ssub.s32 s5, s11;
	s5 =	sadd.s32 s6, s2;
	s6 =	sadd.s32 s6, s3  }
0xf: {  	s9 =	sadd.s32 s12, s9;
	s12 =	sshrl.u32 s31, $0x3;
	s7 =	simm.s32 @!p0 $0x4E  }
0x10: {  	s9 =	sshrl.u32 s9, $0x3;
	s12 =	sadd.s32 s12, s10;
	s10 =	smax.u32 s11, $0x1  }
0x11: {  	s16 =	sshrl.u32 s5, $0x3;
	s19 =	sshrl.u32 s6, $0x3;
	s8 =	sadd.s32 s8, s9  }
0x12: {  	v0 =	vimm.f32 $1.000000000e+00;
	v1 =	vimm.f32 $0.0e+00;
	s11 =	sadd.s32 $0x10, s12;
	s12 =	simm.s32 $0x100;
	s9 =	sadd.s32 $0x10, s8  }
.LBB2_1:
0x13: {  	[tilespmem:$0x80] =	vst v0  }
0x14: {  	[tilespmem:$0x90] =	vst v0  }
0x15: {  	[tilespmem:$0xA0] =	vst v0  }
0x16: {  	[tilespmem:$0xB0] =	vst v0  }
0x17: {  	[tilespmem:$0xC0] =	vst v0  }
0x18: {  	[tilespmem:$0xD0] =	vst v0  }
0x19: {  	[tilespmem:$0xE0] =	vst v0  }
0x1a: {  	[tilespmem:$0xF0] =	vst v0  }
0x1b: {  	[tilespmem:$0x100] =	vst v1  }
0x1c: {  	[tilespmem:$0x110] =	vst v1  }
0x1d: {  	[tilespmem:$0x120] =	vst v1  }
0x1e: {  	[tilespmem:$0x130] =	vst v1  }
0x1f: {  	[tilespmem:$0x140] =	vst v1  }
0x20: {  	[tilespmem:$0x150] =	vst v1  }
0x21: {  	[tilespmem:$0x160] =	vst v1  }
0x22: {  	[tilespmem:$0x170] =	vst v1  }
0x23: {  	[tilespmem:$0x180] =	vst v1  }
0x24: {  	[tilespmem:$0x190] =	vst v1  }
0x25: {  	[tilespmem:$0x1A0] =	vst v1  }
0x26: {  	[tilespmem:$0x1B0] =	vst v1  }
0x27: {  	[tilespmem:$0x1C0] =	vst v1  }
0x28: {  	[tilespmem:$0x1D0] =	vst v1  }
0x29: {  	[tilespmem:$0x1E0] =	vst v1  }
0x2a: {  	[tilespmem:$0x1F0] =	vst v1  }
0x2b: {  	[tilespmem:$0x200] =	vst v1  }
0x2c: {  	[tilespmem:$0x210] =	vst v1  }
0x2d: {  	[tilespmem:$0x220] =	vst v1  }
0x2e: {  	[tilespmem:$0x230] =	vst v1  }
0x2f: {  	[tilespmem:$0x240] =	vst v1  }
0x30: {  	[tilespmem:$0x250] =	vst v1  }
0x31: {  	[tilespmem:$0x260] =	vst v1  }
0x32: {  	[tilespmem:$0x270] =	vst v1  }
0x33: {  	[tilespmem:$0x280] =	vst v1  }
0x34: {  	[tilespmem:$0x290] =	vst v1  }
0x35: {  	[tilespmem:$0x2A0] =	vst v1  }
0x36: {  	[tilespmem:$0x2B0] =	vst v1  }
0x37: {  	[tilespmem:$0x2C0] =	vst v1  }
0x38: {  	[tilespmem:$0x2D0] =	vst v1  }
0x39: {  	[tilespmem:$0x2E0] =	vst v1  }
0x3a: {  	[tilespmem:$0x2F0] =	vst v1  }
0x3b: {  	[tilespmem:$0x300] =	vst v1  }
0x3c: {  	[tilespmem:$0x310] =	vst v1  }
0x3d: {  	[tilespmem:$0x320] =	vst v1  }
0x3e: {  	[tilespmem:$0x330] =	vst v1  }
0x3f: {  	[tilespmem:$0x340] =	vst v1  }
0x40: {  	[tilespmem:$0x350] =	vst v1  }
0x41: {  	[tilespmem:$0x360] =	vst v1  }
0x42: {  	[tilespmem:$0x370] =	vst v1  }
0x43: {  	[spmem:s5] =	stream.linear.scatter [tilespmem:s12], [sflag:$0x1], $0x280, $0x38;
	[tilespmem:$0x880] =	vst v63  }
0x44: {  	_ =	swait.ge [sflag:s13], $0x280  }
0x45: {  	[sflag:s13] =	ssyncset.done $0x0  }
0x46: {  	p1 =	sne.s32 s7, $0x1;
	[sflag:s13] =	ssyncadd.s32 $0xFFFFFD80  }
0x47: {  	[spmem:s6] =	stream.linear.scatter [tilespmem:s12], [sflag:$0x1], $0x280, $0x38;
	[tilespmem:$0x880] =	vst v63  }
.Ltmp0:
0x48: {  	_ =	swait.ge [sflag:s13], $0x280;
	(pc) =	sbr.rel @!p1 .LBB2_4-.Ltmp0, $4  }
0x49: {  	[sflag:s13] =	ssyncset.done $0x0  }
0x4a: {  	[sflag:s13] =	ssyncadd.s32 $0xFFFFFD80  }
0x4b: {  	[bflag:$0x0] =	sbarrier.arrive $0xFFFF  }
0x4c: {  	s22 =	sadd.s32 $0xFFFFFFFF, s7;
	p0 =	por $0x0, $0x0;
	s21 =	smov.u32 s11  }
0x4d: {  	s21 =	sadd.s32 $0xFFFFFFF0, s11  }
0x4e: {  	[tilespmem:s4], [sflag:$0x1] =	stream.linear.gather [hbm4b:s21+s4], $0x80, $0x38;
	[tilespmem:$0x880] =	vst v63  }
0x4f: {  	_ =	swait.ge [sflag:s13], $0x80  }
0x50: {  	[sflag:s13] =	ssyncset.done $0x0  }
0x51: {  	[sflag:s13] =	ssyncadd.s32 $0xFFFFFF80  }
0x52: {  	[spmem:s2] =	stream.indirect.scatter.add.f32 [tilespmem:s14], [sflag:$0x1], $0x1, s4, s14, $0xb8;
	[tilespmem:$0x880] =	vst v63  }
0x53: {  	_ =	swait.ge [sflag:s13], $0x80  }
0x54: {  	[sflag:s13] =	ssyncset.done $0x0  }
0x55: {  	[sflag:s13] =	ssyncadd.s32 $0xFFFFFF80  }
0x56: {  	[tilespmem:s4], [sflag:$0x1] =	stream.linear.gather [hbm4b:s11+s4], $0x80, $0x38;
	[tilespmem:$0x880] =	vst v63  }
0x57: {  	p1 =	sne.s32 s22, $0x1;
	_ =	swait.ge [sflag:s13], $0x80  }
.Ltmp1:
0x58: {  	[sflag:s13] =	ssyncset.done $0x0;
	(pc) =	sbr.rel @!p1 .LBB2_4-.Ltmp1, $4  }
0x59: {  	[sflag:s13] =	ssyncadd.s32 $0xFFFFFF80  }
0x5a: {  	[spmem:s3] =	stream.indirect.scatter.add.f32 [tilespmem:s14], [sflag:$0x1], $0x1, s4, s14, $0xb8;
	[tilespmem:$0x880] =	vst v63  }
0x5b: {  	s22 =	sadd.s32 $0xFFFFFFFF, s22;
	_ =	swait.ge [sflag:s13], $0x80  }
0x5c: {  	p0 =	por $0x1, $0x1;
	s21 =	sadd.s32 $0x400, s11;
	[sflag:s13] =	ssyncset.done $0x0  }
.LBB2_3:
0x5d: {  	p1 =	sne.s32 s22, $0x1;
	s23 =	sadd.s32 $0xFFFFFFF0, s21;
	[sflag:s13] =	ssyncadd.s32 $0xFFFFFF80  }
0x5e: {  	[tilespmem:s4], [sflag:$0x1] =	stream.linear.gather [hbm4b:s23+s4], $0x80, $0x38;
	[tilespmem:$0x880] =	vst v63  }
0x5f: {  	s22 =	sadd.s32 $0xFFFFFFFF, s22;
	_ =	swait.ge [sflag:s13], $0x80  }
0x60: {  	[sflag:s13] =	ssyncset.done $0x0  }
0x61: {  	[sflag:s13] =	ssyncadd.s32 $0xFFFFFF80  }
0x62: {  	[spmem:s2] =	stream.indirect.scatter.add.f32 [tilespmem:s14], [sflag:$0x1], $0x1, s4, s14, $0xb8;
	[tilespmem:$0x880] =	vst v63  }
0x63: {  	_ =	swait.ge [sflag:s13], $0x80  }
0x64: {  	[sflag:s13] =	ssyncset.done $0x0  }
0x65: {  	[sflag:s13] =	ssyncadd.s32 $0xFFFFFF80  }
0x66: {  	[tilespmem:s4], [sflag:$0x1] =	stream.linear.gather [hbm4b:s21+s4], $0x80, $0x38;
	[tilespmem:$0x880] =	vst v63  }
0x67: {  	_ =	swait.ge [sflag:s13], $0x80  }
.Ltmp2:
0x68: {  	[sflag:s13] =	ssyncset.done $0x0;
	(pc) =	sbr.rel @p1 .LBB2_3-.Ltmp2, $4  }
0x69: {  	[sflag:s13] =	ssyncadd.s32 $0xFFFFFF80  }
0x6a: {  	[spmem:s3] =	stream.indirect.scatter.add.f32 [tilespmem:s14], [sflag:$0x1], $0x1, s4, s14, $0xb8;
	[tilespmem:$0x880] =	vst v63  }
0x6b: {  	_ =	swait.ge [sflag:s13], $0x80  }
0x6c: {  	s21 =	sadd.s32 $0x400, s21;
	[sflag:s13] =	ssyncset.done $0x0  }
.LBB2_4:
0x6d: {  	s22 =	sadd.s32 $0xFFFFFFF0, s21;
	[sflag:s13] =	ssyncadd.s32 @p0 $0xFFFFFF80  }
0x6e: {  	[tilespmem:s4], [sflag:$0x1] =	stream.linear.gather [hbm4b:s22+s4], $0x80, $0x38;
	[tilespmem:$0x880] =	vst v63  }
0x6f: {  	_ =	swait.ge [sflag:s13], $0x80  }
0x70: {  	[sflag:s13] =	ssyncset.done $0x0  }
0x71: {  	[sflag:s13] =	ssyncadd.s32 $0xFFFFFF80  }
0x72: {  	[spmem:s2] =	stream.indirect.scatter.add.f32 [tilespmem:s14], [sflag:$0x1], $0x1, s4, s14, $0xb8;
	[tilespmem:$0x880] =	vst v63  }
0x73: {  	_ =	swait.ge [sflag:s13], $0x80  }
0x74: {  	[sflag:s13] =	ssyncset.done $0x0  }
0x75: {  	[sflag:s13] =	ssyncadd.s32 $0xFFFFFF80  }
0x76: {  	[tilespmem:s4], [sflag:$0x1] =	stream.linear.gather [hbm4b:s21+s4], $0x80, $0x38;
	[tilespmem:$0x880] =	vst v63  }
0x77: {  	_ =	swait.ge [sflag:s13], $0x80  }
0x78: {  	[sflag:s13] =	ssyncset.done $0x0  }
0x79: {  	[sflag:s13] =	ssyncadd.s32 $0xFFFFFF80  }
0x7a: {  	[spmem:s3] =	stream.indirect.scatter.add.f32 [tilespmem:s14], [sflag:$0x1], $0x1, s4, s14, $0xb8;
	[tilespmem:$0x880] =	vst v63  }
0x7b: {  	_ =	swait.ge [sflag:s13], $0x80  }
0x7c: {  	[sflag:s13] =	ssyncset.done $0x0  }
0x7d: {  	[sflag:s13] =	ssyncadd.s32 $0xFFFFFF80  }
0x7e: {  	[bflag:$0x0] =	sbarrier.arrive $0xFFFF  }
0x7f: {  	[hbm:s8@s17], [sflag:s15] =	dma.strided [spmem:s16@s18], $0x50, s13, $0x10   }
0x80: {  	s20 =	sadd.s32 $0x1, s20;
	_ =	swait.ge [sflag:s13], $0x50  }
0x81: {  	p0 =	sne.s32 s20, s10;
	[sflag:s13] =	ssyncset.done $0x0  }
.Ltmp3:
0x82: {  	[sflag:s13] =	ssyncadd.s32 $0xFFFFFFB0;
	(pc) =	sbr.rel @p0 .LBB2_1-.Ltmp3, $4  }
0x83: {  	[hbm:s9@s17], [sflag:s15] =	dma.strided [spmem:s19@s18], $0x50, s13, $0x10   }
0x84: {  	_ =	swait.ge [sflag:s13], $0x50  }
0x85: {  	[sflag:s13] =	ssyncset.done $0x0  }
0x86: {  	[sflag:s13] =	ssyncadd.s32 $0xFFFFFFB0  }
0x87: {  	_ =	sfence.sel $0x180000  }
0x88: {  	[bflag:$0x0] =	sbarrier.arrive $0xFFFF  }
0x89: {  	p0 =	sne.s32 s1, $0x0;
	_ =	strace $0x90000047  }
0x8a: {  	s0 =	sadd.s32 @!p0 $0x100000, s0;
	[bflag:$0x2] =	sbarrier.arrive $0xFFFF  }
0x8b: {  	[sflag:s0] =	ssyncadd.tile.s32 @!p0 $0x1;
	_ =	shalt  }
.Lfunc_end2:
_tile_overlayer_lowered:
.L_overlay_start_2:
0x8c: {  	(tag) =	ssettag $0x2  }
0x8d: {  	s0 =	rddreg [dreg:$0x0];
	s2 =	stileid.u32  }
0x8e: {  	s1 =	rddreg [dreg:$0x1];
	p0 =	sne.s32 s2, $0x0  }
0x8f: {  	s3 =	rddreg [dreg:$0x2];
	[bflag:$0x3] =	sbarrier.arrive $0xFFFF;
	s2 =	simm.s32 @!p0 $0x1C01  }
0x90: {  	[timem:s3], [sflag:s2] =	dma.local @!p0 [hbm:s0], s1  }
0x91: {  	s0 =	simm.s32 @!p0 $0x1  }
0x92: {  	_ =	swait.ge @!p0 [sflag:s0], s1  }
0x93: {  	s1 =	ssub.s32 @!p0 $0x0, s1;
	[sflag:s0] =	ssyncset.done @!p0 $0x0  }
0x94: {  	[sflag:s0] =	ssyncadd.s32 @!p0 s1  }
0x95: {  	[bflag:$0x3] =	sbarrier.arrive $0xFFFF  }
0x96: {  	_ =	shalt  }

</sc_bundles>
